<compile_context>
chip_gen: v7x
topology: tpu7x:2x2x1
jax: 0.10.2.dev20260603
libtpu: 0.0.44.dev20260713+nightly
codegen_flags: <defaults>
</compile_context>

<pallas_src>
import functools
import jax
import jax.numpy as jnp
from jax import lax
from jax.experimental import pallas as pl
from jax.experimental.pallas import tpu as pltpu
from jax.experimental.pallas import tpu_sc as plsc

N = 10000
E = 320000
S = 160000
H = 100
D = 128
EPS = 1e-5

EP = 327680
SP = 163840
BE = 2048
BS = 2048

NW = 32
NC = 2


def _pad2(w, rows=D, cols=D):
    return jnp.zeros((rows, cols), jnp.float32).at[: w.shape[0], : w.shape[1]].set(w)


def _pad1(b, cols=D):
    return jnp.zeros((1, cols), jnp.float32).at[0, : b.shape[0]].set(b)



RPG = 64


@functools.partial(jax.jit, static_argnums=(2,))
def _sc_gather(table, idx2, B):
    KB = B // RPG // NW
    G = 10
    assert KB % G == 0

    @functools.partial(
        pl.kernel,
        out_type=jax.ShapeDtypeStruct((B, D), jnp.float32),
        mesh=plsc.VectorSubcoreMesh(core_axis_name="c", subcore_axis_name="s"),
        scratch_types=[
            pltpu.VMEM((KB, RPG), jnp.int32),
            pltpu.VMEM((G * RPG, D), jnp.float32),
            pltpu.SemaphoreType.DMA,
        ],
    )
    def k(table_hbm, idx_hbm, out_hbm, idx_v, rows_v, sem):
        wid = lax.axis_index("s") * NC + lax.axis_index("c")
        pltpu.sync_copy(idx_hbm.at[pl.ds(wid * KB, KB)], idx_v)

        def group(gi, carry):
            base = gi * G
            cps = [
                pltpu.async_copy(
                    table_hbm.at[idx_v.at[base + j]],
                    rows_v.at[pl.ds(j * RPG, RPG)],
                    sem,
                )
                for j in range(G)
            ]
            for cp in cps:
                cp.wait()
            pltpu.sync_copy(
                rows_v,
                out_hbm.at[pl.ds(wid * (KB * RPG) + base * RPG, G * RPG)],
            )
            return carry

        lax.fori_loop(0, KB // G, group, 0)

    return k(table, idx2)


def _sc_segsum_ne(rows, sb_seg):
    R = EP // NW
    CH = 512

    @functools.partial(
        pl.kernel,
        out_type=[
            jax.ShapeDtypeStruct((SP, D), jnp.float32),
            jax.ShapeDtypeStruct((2 * NW * D,), jnp.float32),
            jax.ShapeDtypeStruct((NW * 16,), jnp.int32),
        ],
        mesh=plsc.VectorSubcoreMesh(core_axis_name="c", subcore_axis_name="s"),
        scratch_types=[
            pltpu.VMEM((R + 16,), jnp.int32),
            pltpu.VMEM((CH, D), jnp.float32),
            pltpu.VMEM((128, D), jnp.float32),
            pltpu.VMEM((128,), jnp.int32),
            pltpu.VMEM((2 * D,), jnp.float32),
            pltpu.VMEM((16,), jnp.int32),
            pltpu.SemaphoreType.DMA,
        ],
    )
    def k(sb_hbm, rows_hbm, ne_hbm, side_hbm, sideid_hbm,
          sb_v, rv, stv, sti, sdv, sdi, sem):
        wid = lax.axis_index("s") * NC + lax.axis_index("c")
        base = wid * R
        pltpu.sync_copy(sb_hbm.at[pl.ds(base, R + 16)], sb_v)

        dump = jnp.full((16,), SP - 1, jnp.int32)
        for t in range(8):
            sti[pl.ds(t * 16, 16)] = dump
        sdi[...] = dump
        zero = jnp.zeros((16,), jnp.float32)
        for kk in range(8):
            sdv[pl.ds(kk * 16, 16)] = zero

        def chunk_body(c, carry):
            pltpu.sync_copy(
                rows_hbm.at[pl.ds(base + c * CH, CH)], rv)

            def row_body(i, carry2):
                (a0, a1, a2, a3, a4, a5, a6, a7, scur, nstage, nflush) = carry2
                acc = (a0, a1, a2, a3, a4, a5, a6, a7)
                s = sb_v[pl.ds(c * CH + i, 16)][0]
                row = [rv[i, pl.ds(kk * 16, 16)] for kk in range(8)]
                is_new = s != scur
                lane = lax.iota(jnp.int32, 16)

                @pl.when(is_new & (nflush == 0))
                def _():
                    for kk in range(8):
                        sdv[pl.ds(kk * 16, 16)] = acc[kk]
                    sdi[...] = jnp.where(lane == 0, scur, sdi[...])

                @pl.when(is_new & (nflush > 0))
                def _():
                    stv_row = stv.at[nstage]
                    for kk in range(8):
                        stv_row[pl.ds(kk * 16, 16)] = acc[kk]
                    sl = (nstage // 16) * 16
                    old = sti[pl.ds(sl, 16)]
                    sti[pl.ds(sl, 16)] = jnp.where(lane == nstage % 16, scur, old)

                @pl.when(is_new & (nflush > 0) & (nstage == 127))
                def _():
                    pltpu.async_copy(stv, ne_hbm.at[sti], sem).wait()
                    for t in range(8):
                        sti[pl.ds(t * 16, 16)] = dump

                staged = is_new & (nflush > 0)
                nstage_n = jnp.where(
                    staged, jnp.where(nstage == 127, 0, nstage + 1), nstage)
                nflush_n = jnp.where(is_new, nflush + 1, nflush)
                scur_n = jnp.where(is_new, s, scur)
                acc_n = [jnp.where(is_new, row[kk], acc[kk] + row[kk])
                         for kk in range(8)]
                return tuple(acc_n + [scur_n, nstage_n, nflush_n])

            return lax.fori_loop(0, CH, row_body, carry)

        z = jnp.zeros((16,), jnp.float32)
        init = (z, z, z, z, z, z, z, z, sb_v[pl.ds(0, 16)][0],
                jnp.int32(0), jnp.int32(0))
        fin = lax.fori_loop(0, R // CH, chunk_body, init)
        accf = fin[:8]
        scurf = fin[8]
        for kk in range(8):
            sdv[pl.ds(D + kk * 16, 16)] = accf[kk]
        lane = lax.iota(jnp.int32, 16)
        sdi[...] = jnp.where(lane == 1, scurf, sdi[...])
        pltpu.async_copy(stv, ne_hbm.at[sti], sem).wait()
        pltpu.sync_copy(sdv, side_hbm.at[pl.ds(wid * 2 * D, 2 * D)])
        pltpu.sync_copy(sdi, sideid_hbm.at[pl.ds(wid * 16, 16)])

    return k(sb_seg, rows)



def _edge_embed_body(ea_ref, w_ref, b_ref, o_ref):
    o_ref[...] = jnp.dot(ea_ref[...], w_ref[...],
                         preferred_element_type=jnp.float32) + b_ref[...]


def _edge_embed(edge_attr_p, Wp, bp):
    return pl.pallas_call(
        _edge_embed_body,
        grid=(EP // BE,),
        in_specs=[
            pl.BlockSpec((BE, 16), lambda i: (i, 0)),
            pl.BlockSpec((16, D), lambda i: (0, 0)),
            pl.BlockSpec((1, D), lambda i: (0, 0)),
        ],
        out_specs=pl.BlockSpec((BE, D), lambda i: (i, 0)),
        out_shape=jax.ShapeDtypeStruct((EP, D), jnp.float32),
    )(edge_attr_p, Wp, bp)


def _msg_body(g1_ref, ne_ref, vm_ref, sd_ref, sid_ref,
              wm_ref, bvec_ref, we1b_ref, msg_ref, ew1_ref):
    i = pl.program_id(0)
    rows = jax.lax.broadcasted_iota(jnp.int32, (BS, 2 * NW), 0) + i * BS
    onehot = (rows == sid_ref[...]).astype(jnp.float32)
    corr = jnp.dot(onehot, sd_ref[...], preferred_element_type=jnp.float32)
    bmask = jnp.sum(onehot, axis=1, keepdims=True)
    ne = jnp.where(bmask > 0.0, corr, ne_ref[...])
    pre = g1_ref[...] + jnp.dot(ne, wm_ref[...],
                                preferred_element_type=jnp.float32) + bvec_ref[...]
    msg_ref[...] = jnp.maximum(pre, 0.0) * vm_ref[...]
    ew1_ref[...] = jnp.dot(ne, we1b_ref[...], preferred_element_type=jnp.float32)


def _msg_stage(g1, ne, vmask, sides, sideids, Wm_e_p, bvec_p, We1_b_p):
    return pl.pallas_call(
        _msg_body,
        grid=(SP // BS,),
        in_specs=[
            pl.BlockSpec((BS, D), lambda i: (i, 0)),
            pl.BlockSpec((BS, D), lambda i: (i, 0)),
            pl.BlockSpec((BS, 1), lambda i: (i, 0)),
            pl.BlockSpec((2 * NW, D), lambda i: (0, 0)),
            pl.BlockSpec((1, 2 * NW), lambda i: (0, 0)),
            pl.BlockSpec((D, D), lambda i: (0, 0)),
            pl.BlockSpec((1, D), lambda i: (0, 0)),
            pl.BlockSpec((D, D), lambda i: (0, 0)),
        ],
        out_specs=[
            pl.BlockSpec((BS, D), lambda i: (i, 0)),
            pl.BlockSpec((BS, D), lambda i: (i, 0)),
        ],
        out_shape=[
            jax.ShapeDtypeStruct((SP, D), jnp.float32),
            jax.ShapeDtypeStruct((SP, D), jnp.float32),
        ],
    )(g1, ne, vmask, sides, sideids, Wm_e_p, bvec_p, We1_b_p)


def _edge_mlp_body(g2_ref, g3_ref, ea_ref, w1_ref, b1_ref, w2_ref, b2_ref, o_ref):
    ea = ea_ref[...]
    hid = g2_ref[...] + g3_ref[...] + jnp.dot(
        ea, w1_ref[...], preferred_element_type=jnp.float32) + b1_ref[...]
    hid = jnp.maximum(hid, 0.0)
    upd = jnp.dot(hid, w2_ref[...], preferred_element_type=jnp.float32) + b2_ref[...]
    o_ref[...] = ea + 0.5 * upd


def _edge_mlp(g2, g3, eattr, We1_c_p, be1_p, We2_p, be2_p):
    return pl.pallas_call(
        _edge_mlp_body,
        grid=(EP // BE,),
        in_specs=[
            pl.BlockSpec((BE, D), lambda i: (i, 0)),
            pl.BlockSpec((BE, D), lambda i: (i, 0)),
            pl.BlockSpec((BE, D), lambda i: (i, 0)),
            pl.BlockSpec((D, D), lambda i: (0, 0)),
            pl.BlockSpec((1, D), lambda i: (0, 0)),
            pl.BlockSpec((D, D), lambda i: (0, 0)),
            pl.BlockSpec((1, D), lambda i: (0, 0)),
        ],
        out_specs=pl.BlockSpec((BE, D), lambda i: (i, 0)),
        out_shape=jax.ShapeDtypeStruct((EP, D), jnp.float32),
    )(g2, g3, eattr, We1_c_p, be1_p, We2_p, be2_p)


def _node_embed_body(x_ref, wn_ref, bn_ref, wm_ref, h_ref, hwm_ref):
    h = jnp.dot(x_ref[...], wn_ref[...], preferred_element_type=jnp.float32) + bn_ref[...]
    h_ref[...] = h
    hwm_ref[...] = jnp.dot(h, wm_ref[...], preferred_element_type=jnp.float32)


def _node_embed(x, W_node_p, b_node_p, Wm_h0_p):
    return pl.pallas_call(
        _node_embed_body,
        out_shape=[
            jax.ShapeDtypeStruct((N, D), jnp.float32),
            jax.ShapeDtypeStruct((N, D), jnp.float32),
        ],
    )(x, W_node_p, b_node_p, Wm_h0_p)


def _node_update_body(agg_ref, h_ref, wo_ref, bo_ref, g_ref, be_ref,
                      wa_ref, wb_ref, h2_ref, ta_ref, tb_ref):
    conv = jnp.dot(agg_ref[...], wo_ref[...],
                   preferred_element_type=jnp.float32) + bo_ref[...]
    mu = jnp.mean(conv, axis=0, keepdims=True)
    var = jnp.mean((conv - mu) * (conv - mu), axis=0, keepdims=True)
    bn = (conv - mu) * lax.rsqrt(var + EPS) * g_ref[...] + be_ref[...]
    h2 = (h_ref[...] + jnp.maximum(bn, 0.0)) * 0.5
    h2_ref[...] = h2
    ta_ref[...] = jnp.dot(h2, wa_ref[...], preferred_element_type=jnp.float32)
    tb_ref[...] = jnp.dot(h2, wb_ref[...], preferred_element_type=jnp.float32)


def _node_update(agg, h, Wo_p, bo_p, gamma_p, beta_p, Wa_p, Wb_p):
    return pl.pallas_call(
        _node_update_body,
        out_shape=[
            jax.ShapeDtypeStruct((N, D), jnp.float32),
            jax.ShapeDtypeStruct((N, D), jnp.float32),
            jax.ShapeDtypeStruct((N, D), jnp.float32),
        ],
    )(agg, h, Wo_p, bo_p, gamma_p, beta_p, Wa_p, Wb_p)


def _head_body(t_ref, b1_ref, w2_ref, b2_ref, w3_ref, b3_ref, o_ref):
    o1 = jnp.maximum(t_ref[...] + b1_ref[...], 0.0)
    o2 = jnp.maximum(jnp.dot(o1, w2_ref[...],
                             preferred_element_type=jnp.float32) + b2_ref[...], 0.0)
    o_ref[...] = jnp.dot(o2, w3_ref[...],
                         preferred_element_type=jnp.float32) + b3_ref[...]


def _head(t, bc1_p, Wc2_p, bc2_p, Wc3_p, bc3_p):
    return pl.pallas_call(
        _head_body,
        out_shape=jax.ShapeDtypeStruct((N, D), jnp.float32),
    )(t, bc1_p, Wc2_p, bc2_p, Wc3_p, bc3_p)


def _seg_meta_body(cnt_ref, ssrc_ref, sdst_ref, nsrc_ref, ndst_ref, vm_ref):
    cnt = cnt_ref[...]
    safe = jnp.maximum(cnt, 1.0)
    rows = jax.lax.broadcasted_iota(jnp.int32, cnt.shape, 0)
    cols = jax.lax.broadcasted_iota(jnp.int32, cnt.shape, 1)
    flat = rows * D + cols
    nsrc = jnp.clip(jnp.floor(ssrc_ref[...] / safe), 0.0, float(N - 1))
    ndst = jnp.clip(jnp.floor(sdst_ref[...] / safe), 0.0, float(N - 1))
    nsrc_ref[...] = nsrc.astype(jnp.int32)
    ndst_ref[...] = ndst.astype(jnp.int32)
    vm_ref[...] = jnp.where((cnt > 0.0) & (flat < S), 1.0, 0.0)


def _seg_meta(cnt2, ssrc2, sdst2):
    R = SP // D
    return pl.pallas_call(
        _seg_meta_body,
        out_shape=[
            jax.ShapeDtypeStruct((R, D), jnp.int32),
            jax.ShapeDtypeStruct((R, D), jnp.int32),
            jax.ShapeDtypeStruct((R, D), jnp.float32),
        ],
    )(cnt2, ssrc2, sdst2)



def _segsum(vals, sb, num):
    return jax.ops.segment_sum(vals, sb, num)


def kernel(x, edge_index, edge_attr, simp_edge_batch, W_node, b_node, W_edge, b_edge,
           Wm0, bm0, Wo0, bo0, gamma0, beta0, We1_0, be1_0, We2_0, be2_0,
           Wm1, bm1, Wo1, bo1, gamma1, beta1, We1_1, be1_1, We2_1, be2_1,
           Wc1, bc1, Wc2, bc2, Wc3, bc3):
    src = edge_index[0]
    dst = edge_index[1]
    sb = simp_edge_batch

    W_edge_p = _pad2(W_edge, 16, D)
    b_edge_p = _pad1(b_edge)
    W_node_p = _pad2(W_node)
    b_node_p = _pad1(b_node)
    layers = []
    for (Wm, bm, Wo, bo, gamma, beta, We1, be1, We2, be2) in (
            (Wm0, bm0, Wo0, bo0, gamma0, beta0, We1_0, be1_0, We2_0, be2_0),
            (Wm1, bm1, Wo1, bo1, gamma1, beta1, We1_1, be1_1, We2_1, be2_1)):
        layers.append(dict(
            Wm_h=_pad2(Wm[:H]), Wm_e=_pad2(Wm[H + 1:]),
            bvec=_pad1(bm + Wm[H]),
            Wo=_pad2(Wo), bo=_pad1(bo), gamma=_pad1(gamma), beta=_pad1(beta),
            We1_a=_pad2(We1[:H]), We1_b=_pad2(We1[H:2 * H]), We1_c=_pad2(We1[2 * H:]),
            be1=_pad1(be1), We2=_pad2(We2), be2=_pad1(be2),
        ))
    bc1_p = _pad1(bc1)
    Wc1_p = _pad2(Wc1)
    Wc2_p = _pad2(Wc2)
    bc2_p = _pad1(bc2)
    Wc3_p = _pad2(Wc3)
    bc3_p = _pad1(bc3)

    src2 = jnp.pad(src, (0, EP - E)).reshape(EP // RPG, RPG)
    sb2 = jnp.pad(sb, (0, EP - E)).reshape(EP // RPG, RPG)
    edge_attr_p = jnp.pad(edge_attr, ((0, EP - E), (0, 0)))

    ones = jnp.ones((E,), jnp.float32)
    cnt = _segsum(ones, sb, S)
    ssrc = _segsum(src.astype(jnp.float32), sb, S)
    sdst = _segsum(dst.astype(jnp.float32), sb, S)
    cnt2 = jnp.pad(cnt, (0, SP - S)).reshape(SP // D, D)
    ssrc2 = jnp.pad(ssrc, (0, SP - S)).reshape(SP // D, D)
    sdst2 = jnp.pad(sdst, (0, SP - S)).reshape(SP // D, D)
    nsrc2, ndst2, vm2 = _seg_meta(cnt2, ssrc2, sdst2)
    ndst_flat = ndst2.reshape(SP)
    vmask = vm2.reshape(SP, 1)
    nsrc_flat = nsrc2.reshape(SP)

    h, hWm = _node_embed(x, W_node_p, b_node_p, layers[0]["Wm_h"])
    eattr = _edge_embed(edge_attr_p, W_edge_p, b_edge_p)

    sb_seg = jnp.concatenate(
        [sb, jnp.full((EP - E,), SP - 1, jnp.int32)])

    for li, L in enumerate(layers):
        ne, sides_flat, sideid_arr = _sc_segsum_ne(eattr, sb_seg)
        sides = sides_flat.reshape(2 * NW, D)
        sideids = sideid_arr.reshape(NW, 16)[:, :2].reshape(1, 2 * NW)
        g1 = hWm[nsrc_flat]
        msg, eW1 = _msg_stage(g1, ne, vmask, sides, sideids,
                              L["Wm_e"], L["bvec"], L["We1_b"])
        agg = _segsum(msg, ndst_flat, N)
        if li == 0:
            Wb = layers[1]["Wm_h"]
        else:
            Wb = Wc1_p
        h, hW1, hWm = _node_update(agg, h, L["Wo"], L["bo"], L["gamma"], L["beta"],
                                   L["We1_a"], Wb)
        g2 = _sc_gather(hW1, src2, EP)
        g3 = _sc_gather(eW1, sb2, EP)
        eattr = _edge_mlp(g2, g3, eattr, L["We1_c"], L["be1"], L["We2"], L["be2"])

    out = _head(hWm, bc1_p, Wc2_p, bc2_p, Wc3_p, bc3_p)
    return out[:, :2]

# --- scband reference (transcript-rebuilt; emitter-appended) ---
"""Pipeline reference for scband-multi-mpnn-53240414601509 (READ-ONLY COPY).

The authoritative reference and input builder live on the scoring server;
editing this copy changes nothing except your own understanding.
"""

import jax, jax.numpy as jnp
import numpy as np

N = 10000
E = 320000
F = 128
ED = 16
H = 100
S_MAX = 160000
EPS = 1e-5

def _glorot(key, shape):
    lim = np.sqrt(6.0 / (shape[0] + shape[1]))
    return jax.random.uniform(key, shape, jnp.float32, -lim, lim)

def setup_inputs(seed: int = 0):
    key = jax.random.key(seed)
    ks = jax.random.split(key, 40)
    inp = {}
    inp["x"] = jax.random.normal(ks[0], (N, F), jnp.float32)
    inp["edge_index"] = jax.random.randint(ks[1], (2, E), 0, N, jnp.int32)
    inp["edge_attr"] = jax.random.normal(ks[2], (E, ED), jnp.float32)
    inp["simp_edge_batch"] = jnp.sort(jax.random.randint(ks[3], (E,), 0, S_MAX, jnp.int32))
    inp["W_node"] = _glorot(ks[4], (F, H)); inp["b_node"] = jnp.zeros((H,), jnp.float32)
    inp["W_edge"] = _glorot(ks[5], (ED, H)); inp["b_edge"] = jnp.zeros((H,), jnp.float32)
    kidx = 6
    for l in range(2):
        inp["Wm%d" % l] = _glorot(ks[kidx], (2 * H + 1, H)); kidx += 1
        inp["bm%d" % l] = jnp.zeros((H,), jnp.float32)
        inp["Wo%d" % l] = _glorot(ks[kidx], (H, H)); kidx += 1
        inp["bo%d" % l] = jnp.zeros((H,), jnp.float32)
        inp["gamma%d" % l] = jnp.ones((H,), jnp.float32)
        inp["beta%d" % l] = jnp.zeros((H,), jnp.float32)
        inp["We1_%d" % l] = _glorot(ks[kidx], (3 * H, H)); kidx += 1
        inp["be1_%d" % l] = jnp.zeros((H,), jnp.float32)
        inp["We2_%d" % l] = _glorot(ks[kidx], (H, H)); kidx += 1
        inp["be2_%d" % l] = jnp.zeros((H,), jnp.float32)
    inp["Wc1"] = _glorot(ks[kidx], (H, 50)); kidx += 1
    inp["bc1"] = jnp.zeros((50,), jnp.float32)
    inp["Wc2"] = _glorot(ks[kidx], (50, 25)); kidx += 1
    inp["bc2"] = jnp.zeros((25,), jnp.float32)
    inp["Wc3"] = _glorot(ks[kidx], (25, 2)); kidx += 1
    inp["bc3"] = jnp.zeros((2,), jnp.float32)
    return inp

def reference(x, edge_index, edge_attr, simp_edge_batch, W_node, b_node, W_edge, b_edge,
              Wm0, bm0, Wo0, bo0, gamma0, beta0, We1_0, be1_0, We2_0, be2_0,
              Wm1, bm1, Wo1, bo1, gamma1, beta1, We1_1, be1_1, We2_1, be2_1,
              Wc1, bc1, Wc2, bc2, Wc3, bc3):
    src = edge_index[0]
    sb = simp_edge_batch
    inv = jnp.cumsum(jnp.concatenate([jnp.zeros((1,), jnp.int32),
                                      (sb[1:] != sb[:-1]).astype(jnp.int32)]))
    S = S_MAX
    valid = jnp.arange(S_MAX) <= inv[-1]
    cnt = jax.ops.segment_sum(jnp.ones((E,), jnp.float32), inv, S)
    cnt_safe = jnp.where(valid, cnt, 1.0)
    # MultiEdgeAggModule: scatter-mean of edge_index over inverse indices (int floor like torch)
    ei_mean = jax.ops.segment_sum(edge_index.astype(jnp.float32).T, inv, S) / cnt_safe[:, None]
    n_edge_index = jnp.floor(ei_mean).astype(jnp.int32).T
    nsrc = n_edge_index[0]; ndst = n_edge_index[1]
    # node / edge embeddings; temporal_mp=False -> ts = ones
    h = x @ W_node + b_node
    ea = jnp.concatenate([jnp.ones((E, 1), jnp.float32), edge_attr @ W_edge + b_edge], axis=1)
    layers = [(Wm0, bm0, Wo0, bo0, gamma0, beta0, We1_0, be1_0, We2_0, be2_0),
              (Wm1, bm1, Wo1, bo1, gamma1, beta1, We1_1, be1_1, We2_1, be2_1)]
    for (Wm, bm, Wo, bo, gamma, beta, We1, be1, We2, be2) in layers:
        ts = ea[:, :1]
        eattr = ea[:, 1:]
        # edge aggregation: sum over duplicate edges, mean of timestamps
        new_eattr = jax.ops.segment_sum(eattr, inv, S)
        new_ts = jax.ops.segment_sum(ts, inv, S) / cnt_safe[:, None]
        n_ea = jnp.concatenate([new_ts, new_eattr], axis=1)
        # message passing conv (sum aggregation) on simplified graph
        msg = jax.nn.relu(jnp.concatenate([h[nsrc], n_ea], axis=1) @ Wm + bm)
        msg = jnp.where(valid[:, None], msg, 0.0)
        agg = jax.ops.segment_sum(msg, ndst, N)
        conv_out = agg @ Wo + bo
        # BatchNorm (training statistics)
        mu = conv_out.mean(axis=0)
        var = conv_out.var(axis=0)
        bn = (conv_out - mu) / jnp.sqrt(var + EPS) * gamma + beta
        h = (h + jax.nn.relu(bn)) / 2.0
        # edge update MLP with remapped aggregated edge features
        remapped = n_ea[inv]
        upd = jax.nn.relu(jnp.concatenate([h[src], remapped[:, 1:], eattr], axis=1) @ We1 + be1) @ We2 + be2
        eattr = eattr + upd / 2.0
        ea = jnp.concatenate([ts, eattr], axis=1)
    # node_class head (dropout = identity in eval)
    out = jax.nn.relu(h @ Wc1 + bc1)
    out = jax.nn.relu(out @ Wc2 + bc2)
    out = out @ Wc3 + bc3
    return out

if __name__ == "__main__":
    import jax
    _d = setup_inputs()
    print(jax.jit(kernel)(*tuple(_d.values())))

</pallas_src>

<mosaic_0001>
#map = affine_map<(d0, d1) -> (0, 0)>
module attributes {stable_mosaic.version = 14 : i64} {
  func.func @k(%arg0: i32, %arg1: i32, %arg2: memref<10000x128xf32, #tpu.memory_space<hbm>>, %arg3: memref<5120x64xi32, #tpu.memory_space<hbm>>, %arg4: memref<327680x128xf32, #tpu.memory_space<hbm>>, %arg5: memref<160x64xi32, #tpu.memory_space<vmem>>, %arg6: memref<640x128xf32, #tpu.memory_space<vmem>>, %arg7: memref<!tpu.dma_semaphore, #tpu.memory_space<semaphore_mem>>) attributes {dimension_semantics = [#tpu.dimension_semantics<core_parallel>, #tpu.dimension_semantics<subcore_parallel>], iteration_bounds = array<i64: 2, 16>, scalar_prefetch = 0 : i64, scratch_operands = 3 : i64, tpu.core_type = #tpu.core_type<sc_vector_subcore>, window_params = [{transform_indices = #map}, {transform_indices = #map}, {transform_indices = #map}]} {
    %mul3A = arith.constant 2 : i32
    %mul3A_0 = arith.muli %arg1, %mul3A : i32
    %add3A = arith.addi %mul3A_0, %arg0 : i32
    %mul3A_1 = arith.constant 160 : i32
    %mul3A_2 = arith.muli %add3A, %mul3A_1 : i32
    "tpu.region"() ({
      %run_scoped3A = tpu.sem_alloc : memref<!tpu.dma_semaphore, #tpu.memory_space<semaphore_mem>>
      %dma_start3A = arith.constant 0 : i32
      %dma_start3A_8 = tpu.memref_slice %arg3[%mul3A_2, %dma_start3A] : memref<5120x64xi32, #tpu.memory_space<hbm>> -> memref<160x64xi32, #tpu.memory_space<hbm>>
      %dma_start3A_9 = arith.constant 0 : i32
      %dma_start3A_10 = tpu.memref_slice %arg3[%mul3A_2, %dma_start3A_9] : memref<5120x64xi32, #tpu.memory_space<hbm>> -> memref<160x64xi32, #tpu.memory_space<hbm>>
      tpu.enqueue_dma source(%dma_start3A_10 : memref<160x64xi32, #tpu.memory_space<hbm>>) target(%arg5 : memref<160x64xi32, #tpu.memory_space<vmem>>) target_semaphore(%run_scoped3A : memref<!tpu.dma_semaphore, #tpu.memory_space<semaphore_mem>>)
      %dma_wait3A = arith.constant 0 : i32
      %dma_wait3A_11 = tpu.memref_slice %arg3[%mul3A_2, %dma_wait3A] : memref<5120x64xi32, #tpu.memory_space<hbm>> -> memref<160x64xi32, #tpu.memory_space<hbm>>
      %dma_wait3A_12 = arith.constant 0 : i32
      %dma_wait3A_13 = tpu.memref_slice %arg3[%mul3A_2, %dma_wait3A_12] : memref<5120x64xi32, #tpu.memory_space<hbm>> -> memref<160x64xi32, #tpu.memory_space<hbm>>
      tpu.wait_dma2 semaphore(%run_scoped3A : memref<!tpu.dma_semaphore, #tpu.memory_space<semaphore_mem>>) src(%dma_wait3A_13 : memref<160x64xi32, #tpu.memory_space<hbm>>) dst(%arg5 : memref<160x64xi32, #tpu.memory_space<vmem>>)
      tpu.yield
    }) : () -> ()
    %scan3A = arith.constant 0 : i32
    %scan3A_3 = arith.constant 0 : i32
    %scan3A_4 = arith.constant 16 : i32
    %scan3A_5 = arith.addi %scan3A_3, %scan3A_4 : i32
    %scan3A_6 = arith.constant 1 : i32
    scf.for %scan3A_8 = %scan3A_3 to %scan3A_5 step %scan3A_6  : i32 {
      %mul3A_9 = arith.constant 10 : i32
      %mul3A_10 = arith.muli %scan3A_8, %mul3A_9 : i32
      %add3A_11 = arith.constant 0 : i32
      %add3A_12 = arith.addi %mul3A_10, %add3A_11 : i32
      %dma_start3A = arith.constant 0 : i32
      %dma_start3A_13 = arith.constant 0 : i32
      %dma_start3A_14 = tpu.memref_slice %arg6[%dma_start3A, %dma_start3A_13] : memref<640x128xf32, #tpu.memory_space<vmem>> -> memref<64x128xf32, #tpu.memory_space<vmem>>
      %dma_start3A_15 = arith.constant 0 : i32
      %dma_start3A_16 = tpu.memref_slice %arg5[%add3A_12, %dma_start3A_15] : memref<160x64xi32, #tpu.memory_space<vmem>> -> memref<1x64xi32, #tpu.memory_space<vmem>>
      %dma_start3A_17 = tpu.memref_squeeze %dma_start3A_16 : memref<1x64xi32, #tpu.memory_space<vmem>> -> memref<64xi32, #tpu.memory_space<vmem>>
      %dma_start3A_18 = arith.constant 0 : i32
      %dma_start3A_19 = arith.constant 0 : i32
      %dma_start3A_20 = tpu.memref_slice %arg2[%dma_start3A_18, %dma_start3A_19] : memref<10000x128xf32, #tpu.memory_space<hbm>> -> memref<10000x128xf32, #tpu.memory_space<hbm>>
      tpu.enqueue_indirect_dma source(%dma_start3A_20 : memref<10000x128xf32, #tpu.memory_space<hbm>>) target(%dma_start3A_14 : memref<64x128xf32, #tpu.memory_space<vmem>>) offsets(%dma_start3A_17 : memref<64xi32, #tpu.memory_space<vmem>>) semaphore(%arg7 : memref<!tpu.dma_semaphore, #tpu.memory_space<semaphore_mem>>)
      %add3A_21 = arith.constant 1 : i32
      %add3A_22 = arith.addi %mul3A_10, %add3A_21 : i32
      %dma_start3A_23 = arith.constant 64 : i32
      %dma_start3A_24 = arith.constant 0 : i32
      %dma_start3A_25 = tpu.memref_slice %arg6[%dma_start3A_23, %dma_start3A_24] : memref<640x128xf32, #tpu.memory_space<vmem>> -> memref<64x128xf32, #tpu.memory_space<vmem>>
      %dma_start3A_26 = arith.constant 0 : i32
      %dma_start3A_27 = tpu.memref_slice %arg5[%add3A_22, %dma_start3A_26] : memref<160x64xi32, #tpu.memory_space<vmem>> -> memref<1x64xi32, #tpu.memory_space<vmem>>
      %dma_start3A_28 = tpu.memref_squeeze %dma_start3A_27 : memref<1x64xi32, #tpu.memory_space<vmem>> -> memref<64xi32, #tpu.memory_space<vmem>>
      %dma_start3A_29 = arith.constant 0 : i32
      %dma_start3A_30 = arith.constant 0 : i32
      %dma_start3A_31 = tpu.memref_slice %arg2[%dma_start3A_29, %dma_start3A_30] : memref<10000x128xf32, #tpu.memory_space<hbm>> -> memref<10000x128xf32, #tpu.memory_space<hbm>>
      tpu.enqueue_indirect_dma source(%dma_start3A_31 : memref<10000x128xf32, #tpu.memory_space<hbm>>) target(%dma_start3A_25 : memref<64x128xf32, #tpu.memory_space<vmem>>) offsets(%dma_start3A_28 : memref<64xi32, #tpu.memory_space<vmem>>) semaphore(%arg7 : memref<!tpu.dma_semaphore, #tpu.memory_space<semaphore_mem>>)
      %add3A_32 = arith.constant 2 : i32
      %add3A_33 = arith.addi %mul3A_10, %add3A_32 : i32
      %dma_start3A_34 = arith.constant 128 : i32
      %dma_start3A_35 = arith.constant 0 : i32
      %dma_start3A_36 = tpu.memref_slice %arg6[%dma_start3A_34, %dma_start3A_35] : memref<640x128xf32, #tpu.memory_space<vmem>> -> memref<64x128xf32, #tpu.memory_space<vmem>>
      %dma_start3A_37 = arith.constant 0 : i32
      %dma_start3A_38 = tpu.memref_slice %arg5[%add3A_33, %dma_start3A_37] : memref<160x64xi32, #tpu.memory_space<vmem>> -> memref<1x64xi32, #tpu.memory_space<vmem>>
      %dma_start3A_39 = tpu.memref_squeeze %dma_start3A_38 : memref<1x64xi32, #tpu.memory_space<vmem>> -> memref<64xi32, #tpu.memory_space<vmem>>
      %dma_start3A_40 = arith.constant 0 : i32
      %dma_start3A_41 = arith.constant 0 : i32
      %dma_start3A_42 = tpu.memref_slice %arg2[%dma_start3A_40, %dma_start3A_41] : memref<10000x128xf32, #tpu.memory_space<hbm>> -> memref<10000x128xf32, #tpu.memory_space<hbm>>
      tpu.enqueue_indirect_dma source(%dma_start3A_42 : memref<10000x128xf32, #tpu.memory_space<hbm>>) target(%dma_start3A_36 : memref<64x128xf32, #tpu.memory_space<vmem>>) offsets(%dma_start3A_39 : memref<64xi32, #tpu.memory_space<vmem>>) semaphore(%arg7 : memref<!tpu.dma_semaphore, #tpu.memory_space<semaphore_mem>>)
      %add3A_43 = arith.constant 3 : i32
      %add3A_44 = arith.addi %mul3A_10, %add3A_43 : i32
      %dma_start3A_45 = arith.constant 192 : i32
      %dma_start3A_46 = arith.constant 0 : i32
      %dma_start3A_47 = tpu.memref_slice %arg6[%dma_start3A_45, %dma_start3A_46] : memref<640x128xf32, #tpu.memory_space<vmem>> -> memref<64x128xf32, #tpu.memory_space<vmem>>
      %dma_start3A_48 = arith.constant 0 : i32
      %dma_start3A_49 = tpu.memref_slice %arg5[%add3A_44, %dma_start3A_48] : memref<160x64xi32, #tpu.memory_space<vmem>> -> memref<1x64xi32, #tpu.memory_space<vmem>>
      %dma_start3A_50 = tpu.memref_squeeze %dma_start3A_49 : memref<1x64xi32, #tpu.memory_space<vmem>> -> memref<64xi32, #tpu.memory_space<vmem>>
      %dma_start3A_51 = arith.constant 0 : i32
      %dma_start3A_52 = arith.constant 0 : i32
      %dma_start3A_53 = tpu.memref_slice %arg2[%dma_start3A_51, %dma_start3A_52] : memref<10000x128xf32, #tpu.memory_space<hbm>> -> memref<10000x128xf32, #tpu.memory_space<hbm>>
      tpu.enqueue_indirect_dma source(%dma_start3A_53 : memref<10000x128xf32, #tpu.memory_space<hbm>>) target(%dma_start3A_47 : memref<64x128xf32, #tpu.memory_space<vmem>>) offsets(%dma_start3A_50 : memref<64xi32, #tpu.memory_space<vmem>>) semaphore(%arg7 : memref<!tpu.dma_semaphore, #tpu.memory_space<semaphore_mem>>)
      %add3A_54 = arith.constant 4 : i32
      %add3A_55 = arith.addi %mul3A_10, %add3A_54 : i32
      %dma_start3A_56 = arith.constant 256 : i32
      %dma_start3A_57 = arith.constant 0 : i32
      %dma_start3A_58 = tpu.memref_slice %arg6[%dma_start3A_56, %dma_start3A_57] : memref<640x128xf32, #tpu.memory_space<vmem>> -> memref<64x128xf32, #tpu.memory_space<vmem>>
      %dma_start3A_59 = arith.constant 0 : i32
      %dma_start3A_60 = tpu.memref_slice %arg5[%add3A_55, %dma_start3A_59] : memref<160x64xi32, #tpu.memory_space<vmem>> -> memref<1x64xi32, #tpu.memory_space<vmem>>
      %dma_start3A_61 = tpu.memref_squeeze %dma_start3A_60 : memref<1x64xi32, #tpu.memory_space<vmem>> -> memref<64xi32, #tpu.memory_space<vmem>>
      %dma_start3A_62 = arith.constant 0 : i32
      %dma_start3A_63 = arith.constant 0 : i32
      %dma_start3A_64 = tpu.memref_slice %arg2[%dma_start3A_62, %dma_start3A_63] : memref<10000x128xf32, #tpu.memory_space<hbm>> -> memref<10000x128xf32, #tpu.memory_space<hbm>>
      tpu.enqueue_indirect_dma source(%dma_start3A_64 : memref<10000x128xf32, #tpu.memory_space<hbm>>) target(%dma_start3A_58 : memref<64x128xf32, #tpu.memory_space<vmem>>) offsets(%dma_start3A_61 : memref<64xi32, #tpu.memory_space<vmem>>) semaphore(%arg7 : memref<!tpu.dma_semaphore, #tpu.memory_space<semaphore_mem>>)
      %add3A_65 = arith.constant 5 : i32
      %add3A_66 = arith.addi %mul3A_10, %add3A_65 : i32
      %dma_start3A_67 = arith.constant 320 : i32
      %dma_start3A_68 = arith.constant 0 : i32
      %dma_start3A_69 = tpu.memref_slice %arg6[%dma_start3A_67, %dma_start3A_68] : memref<640x128xf32, #tpu.memory_space<vmem>> -> memref<64x128xf32, #tpu.memory_space<vmem>>
      %dma_start3A_70 = arith.constant 0 : i32
      %dma_start3A_71 = tpu.memref_slice %arg5[%add3A_66, %dma_start3A_70] : memref<160x64xi32, #tpu.memory_space<vmem>> -> memref<1x64xi32, #tpu.memory_space<vmem>>
      %dma_start3A_72 = tpu.memref_squeeze %dma_start3A_71 : memref<1x64xi32, #tpu.memory_space<vmem>> -> memref<64xi32, #tpu.memory_space<vmem>>
      %dma_start3A_73 = arith.constant 0 : i32
      %dma_start3A_74 = arith.constant 0 : i32
      %dma_start3A_75 = tpu.memref_slice %arg2[%dma_start3A_73, %dma_start3A_74] : memref<10000x128xf32, #tpu.memory_space<hbm>> -> memref<10000x128xf32, #tpu.memory_space<hbm>>
      tpu.enqueue_indirect_dma source(%dma_start3A_75 : memref<10000x128xf32, #tpu.memory_space<hbm>>) target(%dma_start3A_69 : memref<64x128xf32, #tpu.memory_space<vmem>>) offsets(%dma_start3A_72 : memref<64xi32, #tpu.memory_space<vmem>>) semaphore(%arg7 : memref<!tpu.dma_semaphore, #tpu.memory_space<semaphore_mem>>)
      %add3A_76 = arith.constant 6 : i32
      %add3A_77 = arith.addi %mul3A_10, %add3A_76 : i32
      %dma_start3A_78 = arith.constant 384 : i32
      %dma_start3A_79 = arith.constant 0 : i32
      %dma_start3A_80 = tpu.memref_slice %arg6[%dma_start3A_78, %dma_start3A_79] : memref<640x128xf32, #tpu.memory_space<vmem>> -> memref<64x128xf32, #tpu.memory_space<vmem>>
      %dma_start3A_81 = arith.constant 0 : i32
      %dma_start3A_82 = tpu.memref_slice %arg5[%add3A_77, %dma_start3A_81] : memref<160x64xi32, #tpu.memory_space<vmem>> -> memref<1x64xi32, #tpu.memory_space<vmem>>
      %dma_start3A_83 = tpu.memref_squeeze %dma_start3A_82 : memref<1x64xi32, #tpu.memory_space<vmem>> -> memref<64xi32, #tpu.memory_space<vmem>>
      %dma_start3A_84 = arith.constant 0 : i32
      %dma_start3A_85 = arith.constant 0 : i32
      %dma_start3A_86 = tpu.memref_slice %arg2[%dma_start3A_84, %dma_start3A_85] : memref<10000x128xf32, #tpu.memory_space<hbm>> -> memref<10000x128xf32, #tpu.memory_space<hbm>>
      tpu.enqueue_indirect_dma source(%dma_start3A_86 : memref<10000x128xf32, #tpu.memory_space<hbm>>) target(%dma_start3A_80 : memref<64x128xf32, #tpu.memory_space<vmem>>) offsets(%dma_start3A_83 : memref<64xi32, #tpu.memory_space<vmem>>) semaphore(%arg7 : memref<!tpu.dma_semaphore, #tpu.memory_space<semaphore_mem>>)
      %add3A_87 = arith.constant 7 : i32
      %add3A_88 = arith.addi %mul3A_10, %add3A_87 : i32
      %dma_start3A_89 = arith.constant 448 : i32
      %dma_start3A_90 = arith.constant 0 : i32
      %dma_start3A_91 = tpu.memref_slice %arg6[%dma_start3A_89, %dma_start3A_90] : memref<640x128xf32, #tpu.memory_space<vmem>> -> memref<64x128xf32, #tpu.memory_space<vmem>>
      %dma_start3A_92 = arith.constant 0 : i32
      %dma_start3A_93 = tpu.memref_slice %arg5[%add3A_88, %dma_start3A_92] : memref<160x64xi32, #tpu.memory_space<vmem>> -> memref<1x64xi32, #tpu.memory_space<vmem>>
      %dma_start3A_94 = tpu.memref_squeeze %dma_start3A_93 : memref<1x64xi32, #tpu.memory_space<vmem>> -> memref<64xi32, #tpu.memory_space<vmem>>
      %dma_start3A_95 = arith.constant 0 : i32
      %dma_start3A_96 = arith.constant 0 : i32
      %dma_start3A_97 = tpu.memref_slice %arg2[%dma_start3A_95, %dma_start3A_96] : memref<10000x128xf32, #tpu.memory_space<hbm>> -> memref<10000x128xf32, #tpu.memory_space<hbm>>
      tpu.enqueue_indirect_dma source(%dma_start3A_97 : memref<10000x128xf32, #tpu.memory_space<hbm>>) target(%dma_start3A_91 : memref<64x128xf32, #tpu.memory_space<vmem>>) offsets(%dma_start3A_94 : memref<64xi32, #tpu.memory_space<vmem>>) semaphore(%arg7 : memref<!tpu.dma_semaphore, #tpu.memory_space<semaphore_mem>>)
      %add3A_98 = arith.constant 8 : i32
      %add3A_99 = arith.addi %mul3A_10, %add3A_98 : i32
      %dma_start3A_100 = arith.constant 512 : i32
      %dma_start3A_101 = arith.constant 0 : i32
      %dma_start3A_102 = tpu.memref_slice %arg6[%dma_start3A_100, %dma_start3A_101] : memref<640x128xf32, #tpu.memory_space<vmem>> -> memref<64x128xf32, #tpu.memory_space<vmem>>
      %dma_start3A_103 = arith.constant 0 : i32
      %dma_start3A_104 = tpu.memref_slice %arg5[%add3A_99, %dma_start3A_103] : memref<160x64xi32, #tpu.memory_space<vmem>> -> memref<1x64xi32, #tpu.memory_space<vmem>>
      %dma_start3A_105 = tpu.memref_squeeze %dma_start3A_104 : memref<1x64xi32, #tpu.memory_space<vmem>> -> memref<64xi32, #tpu.memory_space<vmem>>
      %dma_start3A_106 = arith.constant 0 : i32
      %dma_start3A_107 = arith.constant 0 : i32
      %dma_start3A_108 = tpu.memref_slice %arg2[%dma_start3A_106, %dma_start3A_107] : memref<10000x128xf32, #tpu.memory_space<hbm>> -> memref<10000x128xf32, #tpu.memory_space<hbm>>
      tpu.enqueue_indirect_dma source(%dma_start3A_108 : memref<10000x128xf32, #tpu.memory_space<hbm>>) target(%dma_start3A_102 : memref<64x128xf32, #tpu.memory_space<vmem>>) offsets(%dma_start3A_105 : memref<64xi32, #tpu.memory_space<vmem>>) semaphore(%arg7 : memref<!tpu.dma_semaphore, #tpu.memory_space<semaphore_mem>>)
      %add3A_109 = arith.constant 9 : i32
      %add3A_110 = arith.addi %mul3A_10, %add3A_109 : i32
      %dma_start3A_111 = arith.constant 576 : i32
      %dma_start3A_112 = arith.constant 0 : i32
      %dma_start3A_113 = tpu.memref_slice %arg6[%dma_start3A_111, %dma_start3A_112] : memref<640x128xf32, #tpu.memory_space<vmem>> -> memref<64x128xf32, #tpu.memory_space<vmem>>
      %dma_start3A_114 = arith.constant 0 : i32
      %dma_start3A_115 = tpu.memref_slice %arg5[%add3A_110, %dma_start3A_114] : memref<160x64xi32, #tpu.memory_space<vmem>> -> memref<1x64xi32, #tpu.memory_space<vmem>>
      %dma_start3A_116 = tpu.memref_squeeze %dma_start3A_115 : memref<1x64xi32, #tpu.memory_space<vmem>> -> memref<64xi32, #tpu.memory_space<vmem>>
      %dma_start3A_117 = arith.constant 0 : i32
      %dma_start3A_118 = arith.constant 0 : i32
      %dma_start3A_119 = tpu.memref_slice %arg2[%dma_start3A_117, %dma_start3A_118] : memref<10000x128xf32, #tpu.memory_space<hbm>> -> memref<10000x128xf32, #tpu.memory_space<hbm>>
      tpu.enqueue_indirect_dma source(%dma_start3A_119 : memref<10000x128xf32, #tpu.memory_space<hbm>>) target(%dma_start3A_113 : memref<64x128xf32, #tpu.memory_space<vmem>>) offsets(%dma_start3A_116 : memref<64xi32, #tpu.memory_space<vmem>>) semaphore(%arg7 : memref<!tpu.dma_semaphore, #tpu.memory_space<semaphore_mem>>)
      %dma_wait3A = arith.constant 0 : i32
      %dma_wait3A_120 = arith.constant 0 : i32
      %dma_wait3A_121 = tpu.memref_slice %arg6[%dma_wait3A, %dma_wait3A_120] : memref<640x128xf32, #tpu.memory_space<vmem>> -> memref<64x128xf32, #tpu.memory_space<vmem>>
      %dma_wait3A_122 = arith.constant 0 : i32
      %dma_wait3A_123 = tpu.memref_slice %arg5[%add3A_12, %dma_wait3A_122] : memref<160x64xi32, #tpu.memory_space<vmem>> -> memref<1x64xi32, #tpu.memory_space<vmem>>
      %dma_wait3A_124 = tpu.memref_squeeze %dma_wait3A_123 : memref<1x64xi32, #tpu.memory_space<vmem>> -> memref<64xi32, #tpu.memory_space<vmem>>
      %dma_wait3A_125 = arith.constant 0 : i32
      %dma_wait3A_126 = arith.constant 0 : i32
      %dma_wait3A_127 = tpu.memref_slice %arg2[%dma_wait3A_125, %dma_wait3A_126] : memref<10000x128xf32, #tpu.memory_space<hbm>> -> memref<10000x128xf32, #tpu.memory_space<hbm>>
      tpu.wait_indirect_dma semaphore(%arg7 : memref<!tpu.dma_semaphore, #tpu.memory_space<semaphore_mem>>) src(%dma_wait3A_127 : memref<10000x128xf32, #tpu.memory_space<hbm>>) dst(%dma_wait3A_121 : memref<64x128xf32, #tpu.memory_space<vmem>>)
      %dma_wait3A_128 = arith.constant 64 : i32
      %dma_wait3A_129 = arith.constant 0 : i32
      %dma_wait3A_130 = tpu.memref_slice %arg6[%dma_wait3A_128, %dma_wait3A_129] : memref<640x128xf32, #tpu.memory_space<vmem>> -> memref<64x128xf32, #tpu.memory_space<vmem>>
      %dma_wait3A_131 = arith.constant 0 : i32
      %dma_wait3A_132 = tpu.memref_slice %arg5[%add3A_22, %dma_wait3A_131] : memref<160x64xi32, #tpu.memory_space<vmem>> -> memref<1x64xi32, #tpu.memory_space<vmem>>
      %dma_wait3A_133 = tpu.memref_squeeze %dma_wait3A_132 : memref<1x64xi32, #tpu.memory_space<vmem>> -> memref<64xi32, #tpu.memory_space<vmem>>
      %dma_wait3A_134 = arith.constant 0 : i32
      %dma_wait3A_135 = arith.constant 0 : i32
      %dma_wait3A_136 = tpu.memref_slice %arg2[%dma_wait3A_134, %dma_wait3A_135] : memref<10000x128xf32, #tpu.memory_space<hbm>> -> memref<10000x128xf32, #tpu.memory_space<hbm>>
      tpu.wait_indirect_dma semaphore(%arg7 : memref<!tpu.dma_semaphore, #tpu.memory_space<semaphore_mem>>) src(%dma_wait3A_136 : memref<10000x128xf32, #tpu.memory_space<hbm>>) dst(%dma_wait3A_130 : memref<64x128xf32, #tpu.memory_space<vmem>>)
      %dma_wait3A_137 = arith.constant 128 : i32
      %dma_wait3A_138 = arith.constant 0 : i32
      %dma_wait3A_139 = tpu.memref_slice %arg6[%dma_wait3A_137, %dma_wait3A_138] : memref<640x128xf32, #tpu.memory_space<vmem>> -> memref<64x128xf32, #tpu.memory_space<vmem>>
      %dma_wait3A_140 = arith.constant 0 : i32
      %dma_wait3A_141 = tpu.memref_slice %arg5[%add3A_33, %dma_wait3A_140] : memref<160x64xi32, #tpu.memory_space<vmem>> -> memref<1x64xi32, #tpu.memory_space<vmem>>
      %dma_wait3A_142 = tpu.memref_squeeze %dma_wait3A_141 : memref<1x64xi32, #tpu.memory_space<vmem>> -> memref<64xi32, #tpu.memory_space<vmem>>
      %dma_wait3A_143 = arith.constant 0 : i32
      %dma_wait3A_144 = arith.constant 0 : i32
      %dma_wait3A_145 = tpu.memref_slice %arg2[%dma_wait3A_143, %dma_wait3A_144] : memref<10000x128xf32, #tpu.memory_space<hbm>> -> memref<10000x128xf32, #tpu.memory_space<hbm>>
      tpu.wait_indirect_dma semaphore(%arg7 : memref<!tpu.dma_semaphore, #tpu.memory_space<semaphore_mem>>) src(%dma_wait3A_145 : memref<10000x128xf32, #tpu.memory_space<hbm>>) dst(%dma_wait3A_139 : memref<64x128xf32, #tpu.memory_space<vmem>>)
      %dma_wait3A_146 = arith.constant 192 : i32
      %dma_wait3A_147 = arith.constant 0 : i32
      %dma_wait3A_148 = tpu.memref_slice %arg6[%dma_wait3A_146, %dma_wait3A_147] : memref<640x128xf32, #tpu.memory_space<vmem>> -> memref<64x128xf32, #tpu.memory_space<vmem>>
      %dma_wait3A_149 = arith.constant 0 : i32
      %dma_wait3A_150 = tpu.memref_slice %arg5[%add3A_44, %dma_wait3A_149] : memref<160x64xi32, #tpu.memory_space<vmem>> -> memref<1x64xi32, #tpu.memory_space<vmem>>
      %dma_wait3A_151 = tpu.memref_squeeze %dma_wait3A_150 : memref<1x64xi32, #tpu.memory_space<vmem>> -> memref<64xi32, #tpu.memory_space<vmem>>
      %dma_wait3A_152 = arith.constant 0 : i32
      %dma_wait3A_153 = arith.constant 0 : i32
      %dma_wait3A_154 = tpu.memref_slice %arg2[%dma_wait3A_152, %dma_wait3A_153] : memref<10000x128xf32, #tpu.memory_space<hbm>> -> memref<10000x128xf32, #tpu.memory_space<hbm>>
      tpu.wait_indirect_dma semaphore(%arg7 : memref<!tpu.dma_semaphore, #tpu.memory_space<semaphore_mem>>) src(%dma_wait3A_154 : memref<10000x128xf32, #tpu.memory_space<hbm>>) dst(%dma_wait3A_148 : memref<64x128xf32, #tpu.memory_space<vmem>>)
      %dma_wait3A_155 = arith.constant 256 : i32
      %dma_wait3A_156 = arith.constant 0 : i32
      %dma_wait3A_157 = tpu.memref_slice %arg6[%dma_wait3A_155, %dma_wait3A_156] : memref<640x128xf32, #tpu.memory_space<vmem>> -> memref<64x128xf32, #tpu.memory_space<vmem>>
      %dma_wait3A_158 = arith.constant 0 : i32
      %dma_wait3A_159 = tpu.memref_slice %arg5[%add3A_55, %dma_wait3A_158] : memref<160x64xi32, #tpu.memory_space<vmem>> -> memref<1x64xi32, #tpu.memory_space<vmem>>
      %dma_wait3A_160 = tpu.memref_squeeze %dma_wait3A_159 : memref<1x64xi32, #tpu.memory_space<vmem>> -> memref<64xi32, #tpu.memory_space<vmem>>
      %dma_wait3A_161 = arith.constant 0 : i32
      %dma_wait3A_162 = arith.constant 0 : i32
      %dma_wait3A_163 = tpu.memref_slice %arg2[%dma_wait3A_161, %dma_wait3A_162] : memref<10000x128xf32, #tpu.memory_space<hbm>> -> memref<10000x128xf32, #tpu.memory_space<hbm>>
      tpu.wait_indirect_dma semaphore(%arg7 : memref<!tpu.dma_semaphore, #tpu.memory_space<semaphore_mem>>) src(%dma_wait3A_163 : memref<10000x128xf32, #tpu.memory_space<hbm>>) dst(%dma_wait3A_157 : memref<64x128xf32, #tpu.memory_space<vmem>>)
      %dma_wait3A_164 = arith.constant 320 : i32
      %dma_wait3A_165 = arith.constant 0 : i32
      %dma_wait3A_166 = tpu.memref_slice %arg6[%dma_wait3A_164, %dma_wait3A_165] : memref<640x128xf32, #tpu.memory_space<vmem>> -> memref<64x128xf32, #tpu.memory_space<vmem>>
      %dma_wait3A_167 = arith.constant 0 : i32
      %dma_wait3A_168 = tpu.memref_slice %arg5[%add3A_66, %dma_wait3A_167] : memref<160x64xi32, #tpu.memory_space<vmem>> -> memref<1x64xi32, #tpu.memory_space<vmem>>
      %dma_wait3A_169 = tpu.memref_squeeze %dma_wait3A_168 : memref<1x64xi32, #tpu.memory_space<vmem>> -> memref<64xi32, #tpu.memory_space<vmem>>
      %dma_wait3A_170 = arith.constant 0 : i32
      %dma_wait3A_171 = arith.constant 0 : i32
      %dma_wait3A_172 = tpu.memref_slice %arg2[%dma_wait3A_170, %dma_wait3A_171] : memref<10000x128xf32, #tpu.memory_space<hbm>> -> memref<10000x128xf32, #tpu.memory_space<hbm>>
      tpu.wait_indirect_dma semaphore(%arg7 : memref<!tpu.dma_semaphore, #tpu.memory_space<semaphore_mem>>) src(%dma_wait3A_172 : memref<10000x128xf32, #tpu.memory_space<hbm>>) dst(%dma_wait3A_166 : memref<64x128xf32, #tpu.memory_space<vmem>>)
      %dma_wait3A_173 = arith.constant 384 : i32
      %dma_wait3A_174 = arith.constant 0 : i32
      %dma_wait3A_175 = tpu.memref_slice %arg6[%dma_wait3A_173, %dma_wait3A_174] : memref<640x128xf32, #tpu.memory_space<vmem>> -> memref<64x128xf32, #tpu.memory_space<vmem>>
      %dma_wait3A_176 = arith.constant 0 : i32
      %dma_wait3A_177 = tpu.memref_slice %arg5[%add3A_77, %dma_wait3A_176] : memref<160x64xi32, #tpu.memory_space<vmem>> -> memref<1x64xi32, #tpu.memory_space<vmem>>
      %dma_wait3A_178 = tpu.memref_squeeze %dma_wait3A_177 : memref<1x64xi32, #tpu.memory_space<vmem>> -> memref<64xi32, #tpu.memory_space<vmem>>
      %dma_wait3A_179 = arith.constant 0 : i32
      %dma_wait3A_180 = arith.constant 0 : i32
      %dma_wait3A_181 = tpu.memref_slice %arg2[%dma_wait3A_179, %dma_wait3A_180] : memref<10000x128xf32, #tpu.memory_space<hbm>> -> memref<10000x128xf32, #tpu.memory_space<hbm>>
      tpu.wait_indirect_dma semaphore(%arg7 : memref<!tpu.dma_semaphore, #tpu.memory_space<semaphore_mem>>) src(%dma_wait3A_181 : memref<10000x128xf32, #tpu.memory_space<hbm>>) dst(%dma_wait3A_175 : memref<64x128xf32, #tpu.memory_space<vmem>>)
      %dma_wait3A_182 = arith.constant 448 : i32
      %dma_wait3A_183 = arith.constant 0 : i32
      %dma_wait3A_184 = tpu.memref_slice %arg6[%dma_wait3A_182, %dma_wait3A_183] : memref<640x128xf32, #tpu.memory_space<vmem>> -> memref<64x128xf32, #tpu.memory_space<vmem>>
      %dma_wait3A_185 = arith.constant 0 : i32
      %dma_wait3A_186 = tpu.memref_slice %arg5[%add3A_88, %dma_wait3A_185] : memref<160x64xi32, #tpu.memory_space<vmem>> -> memref<1x64xi32, #tpu.memory_space<vmem>>
      %dma_wait3A_187 = tpu.memref_squeeze %dma_wait3A_186 : memref<1x64xi32, #tpu.memory_space<vmem>> -> memref<64xi32, #tpu.memory_space<vmem>>
      %dma_wait3A_188 = arith.constant 0 : i32
      %dma_wait3A_189 = arith.constant 0 : i32
      %dma_wait3A_190 = tpu.memref_slice %arg2[%dma_wait3A_188, %dma_wait3A_189] : memref<10000x128xf32, #tpu.memory_space<hbm>> -> memref<10000x128xf32, #tpu.memory_space<hbm>>
      tpu.wait_indirect_dma semaphore(%arg7 : memref<!tpu.dma_semaphore, #tpu.memory_space<semaphore_mem>>) src(%dma_wait3A_190 : memref<10000x128xf32, #tpu.memory_space<hbm>>) dst(%dma_wait3A_184 : memref<64x128xf32, #tpu.memory_space<vmem>>)
      %dma_wait3A_191 = arith.constant 512 : i32
      %dma_wait3A_192 = arith.constant 0 : i32
      %dma_wait3A_193 = tpu.memref_slice %arg6[%dma_wait3A_191, %dma_wait3A_192] : memref<640x128xf32, #tpu.memory_space<vmem>> -> memref<64x128xf32, #tpu.memory_space<vmem>>
      %dma_wait3A_194 = arith.constant 0 : i32
      %dma_wait3A_195 = tpu.memref_slice %arg5[%add3A_99, %dma_wait3A_194] : memref<160x64xi32, #tpu.memory_space<vmem>> -> memref<1x64xi32, #tpu.memory_space<vmem>>
      %dma_wait3A_196 = tpu.memref_squeeze %dma_wait3A_195 : memref<1x64xi32, #tpu.memory_space<vmem>> -> memref<64xi32, #tpu.memory_space<vmem>>
      %dma_wait3A_197 = arith.constant 0 : i32
      %dma_wait3A_198 = arith.constant 0 : i32
      %dma_wait3A_199 = tpu.memref_slice %arg2[%dma_wait3A_197, %dma_wait3A_198] : memref<10000x128xf32, #tpu.memory_space<hbm>> -> memref<10000x128xf32, #tpu.memory_space<hbm>>
      tpu.wait_indirect_dma semaphore(%arg7 : memref<!tpu.dma_semaphore, #tpu.memory_space<semaphore_mem>>) src(%dma_wait3A_199 : memref<10000x128xf32, #tpu.memory_space<hbm>>) dst(%dma_wait3A_193 : memref<64x128xf32, #tpu.memory_space<vmem>>)
      %dma_wait3A_200 = arith.constant 576 : i32
      %dma_wait3A_201 = arith.constant 0 : i32
      %dma_wait3A_202 = tpu.memref_slice %arg6[%dma_wait3A_200, %dma_wait3A_201] : memref<640x128xf32, #tpu.memory_space<vmem>> -> memref<64x128xf32, #tpu.memory_space<vmem>>
      %dma_wait3A_203 = arith.constant 0 : i32
      %dma_wait3A_204 = tpu.memref_slice %arg5[%add3A_110, %dma_wait3A_203] : memref<160x64xi32, #tpu.memory_space<vmem>> -> memref<1x64xi32, #tpu.memory_space<vmem>>
      %dma_wait3A_205 = tpu.memref_squeeze %dma_wait3A_204 : memref<1x64xi32, #tpu.memory_space<vmem>> -> memref<64xi32, #tpu.memory_space<vmem>>
      %dma_wait3A_206 = arith.constant 0 : i32
      %dma_wait3A_207 = arith.constant 0 : i32
      %dma_wait3A_208 = tpu.memref_slice %arg2[%dma_wait3A_206, %dma_wait3A_207] : memref<10000x128xf32, #tpu.memory_space<hbm>> -> memref<10000x128xf32, #tpu.memory_space<hbm>>
      tpu.wait_indirect_dma semaphore(%arg7 : memref<!tpu.dma_semaphore, #tpu.memory_space<semaphore_mem>>) src(%dma_wait3A_208 : memref<10000x128xf32, #tpu.memory_space<hbm>>) dst(%dma_wait3A_202 : memref<64x128xf32, #tpu.memory_space<vmem>>)
      %mul3A_209 = arith.constant 10240 : i32
      %mul3A_210 = arith.muli %add3A, %mul3A_209 : i32
      %mul3A_211 = arith.constant 64 : i32
      %mul3A_212 = arith.muli %mul3A_10, %mul3A_211 : i32
      %add3A_213 = arith.addi %mul3A_210, %mul3A_212 : i32
      "tpu.region"() ({
        %run_scoped3A = tpu.sem_alloc : memref<!tpu.dma_semaphore, #tpu.memory_space<semaphore_mem>>
        %dma_start3A_214 = arith.constant 0 : i32
        %dma_start3A_215 = tpu.memref_slice %arg4[%add3A_213, %dma_start3A_214] : memref<327680x128xf32, #tpu.memory_space<hbm>> -> memref<640x128xf32, #tpu.memory_space<hbm>>
        %dma_start3A_216 = arith.constant 0 : i32
        %dma_start3A_217 = tpu.memref_slice %arg4[%add3A_213, %dma_start3A_216] : memref<327680x128xf32, #tpu.memory_space<hbm>> -> memref<640x128xf32, #tpu.memory_space<hbm>>
        tpu.enqueue_dma source(%arg6 : memref<640x128xf32, #tpu.memory_space<vmem>>) target(%dma_start3A_217 : memref<640x128xf32, #tpu.memory_space<hbm>>) target_semaphore(%run_scoped3A : memref<!tpu.dma_semaphore, #tpu.memory_space<semaphore_mem>>)
        %dma_wait3A_218 = arith.constant 0 : i32
        %dma_wait3A_219 = tpu.memref_slice %arg4[%add3A_213, %dma_wait3A_218] : memref<327680x128xf32, #tpu.memory_space<hbm>> -> memref<640x128xf32, #tpu.memory_space<hbm>>
        %dma_wait3A_220 = arith.constant 0 : i32
        %dma_wait3A_221 = tpu.memref_slice %arg4[%add3A_213, %dma_wait3A_220] : memref<327680x128xf32, #tpu.memory_space<hbm>> -> memref<640x128xf32, #tpu.memory_space<hbm>>
        tpu.wait_dma2 semaphore(%run_scoped3A : memref<!tpu.dma_semaphore, #tpu.memory_space<semaphore_mem>>) src(%arg6 : memref<640x128xf32, #tpu.memory_space<vmem>>) dst(%dma_wait3A_221 : memref<640x128xf32, #tpu.memory_space<hbm>>)
        tpu.yield
      }) : () -> ()
    }
    %scan3A_7 = arith.constant 16 : i32
    return
  }
}

</mosaic_0001>

<sc_bundles>
// kernel: _sc_gather.3.cloned.1.call-start
scs
__scs_entry_jumppad:
0x0: {  	(pc) =	sbr.rel $0x88, $3  }
0x1: {  	(tag) =	ssettag $0x0;
	lr =	simm.s32 $0x1  }
0x2: {  	[smem:$0x3F9F] =	sst lr;
	_ =	strace $0xD0000000  }
0x3: {  	_ = 	snop  }
0x4: {  	_ = 	snop  }
0x5: {  	_ = 	snop  }
0x6: {  	_ = 	snop  }
0x7: {  	_ = 	snop  }
__scs_overlays_trampoline_lowered:
0x8: {  	[smem:$0x3FAE] =	sst s0  }
0x9: {  	[smem:$0x3FAF] =	sst s1  }
0xa: {  	[smem:$0x3FB0] =	sst s2  }
0xb: {  	[smem:$0x3FB1] =	sst s3  }
0xc: {  	[smem:$0x3FB2] =	sst s4  }
0xd: {  	[smem:$0x3FB3] =	sst s5  }
0xe: {  	[smem:$0x3FB4] =	sst s6  }
0xf: {  	[smem:$0x3FB5] =	sst s7  }
0x10: {  	[smem:$0x3FB6] =	sst s8  }
0x11: {  	[smem:$0x3FB7] =	sst s9;
	s0 =	simm.s32 @!p0 $0x0  }
0x12: {  	s1 =	sld [smem:$0x3F9D];
	s0 =	simm.s32 @p0 $0x1  }
0x13: {  	[smem:$0x3FB8] =	sst s0;
	s0 =	simm.s32 @!p1 $0x0  }
0x14: {  	s2 =	sld [smem:$0x3F9C];
	s0 =	simm.s32 @p1 $0x1  }
0x15: {  	[smem:$0x3FB9] =	sst s0;
	s0 =	simm.s32 @!p2 $0x0  }
0x16: {  	s3 =	sld [smem:$0x3FDB];
	s0 =	simm.s32 @p2 $0x1  }
0x17: {  	s4 =	simm.s32 $0x1BF5;
	[smem:$0x3FBB] =	sst s0  }
0x18: {  	s0 =	sld [smem:$0x3F9E];
	_ =	swait.ge [sflag:s4], $0x0  }
0x19: {  	s7 =	sld [smem:$0x3F9F]  }
0x1a: {  	s8 =	sadd.s32 $0xFFFFE003, lr  }
0x1b: {  	s9 =	sadd.s32 $0xFFFFFEF7, lr;
	s5 =	simm.s32 $0xFFFFFFFF;
	p2 =	slt.u32 s8, $0xFFFFF086  }
0x1c: {  	p1 =	slt.u32 s9, $0xF7A;
	s5 =	simm.s32 @!p2 $0x0  }
0x1d: {  	s5 =	simm.s32 @p1 $0x1;
	p0 =	seq.s32 s7, s2  }
0x1e: {  	s7 =	smul.u32 @!p0 $0xF7A, s2;
	p2 =	seq.s32 @!p0 s5, $0x0  }
0x1f: {  	s9 =	smul.u32 $0xF7A, s1;
	s8 =	simm.s32 @!p0 $0x1BF5;
	p2 =	por !p2, p0  }
0x20: {  	[sflag:s8] =	ssyncset.s32 @!p0 $0xFFFFF086;
	s6 =	sadd.s32 @!p0 s3, s7;
	s7 =	simm.s32 @!p0 $0x108  }
0x21: {  	s3 =	sadd.s32 s3, s9;
	s6 =	sadd.s32 @!p0 $0x88, s6;
	s7 =	simm.s32 @p2 $0x1082  }
0x22: {  	[simem:s7], [sflag:s8] =	dma.local @!p0 [hbm:s6], $0xF7A  }
0x23: {  	s9 =	sor.u32 $0xD0000000, s2;
	s6 =	simm.s32 $0x108;
	_ =	swait.ge @!p0 [sflag:s8], $0x0  }
0x24: {  	s3 =	sadd.s32 $0x88, s3;
	s6 =	simm.s32 @!p1 $0x1082;
	[sflag:s4] =	ssyncset.s32 $0xFFFFF086  }
0x25: {  	[simem:s6], [sflag:s4] =	dma.local [hbm:s3], $0xF7A  }
0x26: {  	[smem:$0x3F9F] =	sst s1;
	(tag) =	ssettag s2;
	_ =	strace s9  }
0x27: {  	s1 =	sld [smem:$0x3FAF]  }
0x28: {  	s2 =	sld [smem:$0x3FB0]  }
0x29: {  	s4 =	sld [smem:$0x3FB2]  }
0x2a: {  	p0 =	seq.s32 s5, $0x0;
	s5 =	sld [smem:$0x3FB3]  }
0x2b: {  	s6 =	sld [smem:$0x3FB4]  }
0x2c: {  	s7 =	sld [smem:$0x3FB5]  }
0x2d: {  	s3 =	simm.s32 $0x108;
	s8 =	sld [smem:$0x3FB6]  }
0x2e: {  	s3 =	simm.s32 @!p0 $0x1082;
	s9 =	sld [smem:$0x3FB7]  }
0x2f: {  	lr =	sadd.s32 s0, s3;
	s0 =	sld [smem:$0x3FAE]  }
0x30: {  	s3 =	sld [smem:$0x3FB1]  }
0x31: {  	[smem:$0x3FBA] =	sst s10  }
0x32: {  	s10 =	sld [smem:$0x3FB8];
	_ =	sdelay $0x3  }
0x33: {  	p0 =	seq.s32 s10, $0x1;
	s10 =	sld [smem:$0x3FBA];
	_ =	sdelay $0x3  }
0x34: {  	[smem:$0x3FBA] =	sst s10  }
0x35: {  	s10 =	sld [smem:$0x3FB9];
	_ =	sdelay $0x3  }
0x36: {  	p1 =	seq.s32 s10, $0x1;
	s10 =	sld [smem:$0x3FBA];
	_ =	sdelay $0x3  }
0x37: {  	[smem:$0x3FBA] =	sst s10  }
0x38: {  	s10 =	sld [smem:$0x3FBB]  }
0x39: {  	_ = 	snop;
	(pc) =	sbr.ind lr, $3  }
0x3a: {  	_ = 	snop  }
0x3b: {  	_ = 	snop  }
0x3c: {  	p2 =	seq.s32 s10, $0x1;
	s10 =	sld [smem:$0x3FBA]  }
0x3d: {  	_ =	shalt  }
0x3e: {  	_ =	shalt  }
0x3f: {  	_ =	shalt  }
0x40: {  	_ =	shalt  }
0x41: {  	_ =	shalt  }
0x42: {  	_ =	shalt  }
0x43: {  	_ =	shalt  }
0x44: {  	_ =	shalt  }
0x45: {  	_ =	shalt  }
0x46: {  	_ =	shalt  }
0x47: {  	_ =	shalt  }
0x48: {  	_ =	shalt  }
0x49: {  	_ =	shalt  }
0x4a: {  	_ =	shalt  }
0x4b: {  	_ =	shalt  }
0x4c: {  	_ =	shalt  }
0x4d: {  	_ =	shalt  }
0x4e: {  	_ =	shalt  }
0x4f: {  	_ =	shalt  }
0x50: {  	_ =	shalt  }
0x51: {  	_ =	shalt  }
0x52: {  	_ =	shalt  }
0x53: {  	_ =	shalt  }
0x54: {  	_ =	shalt  }
0x55: {  	_ =	shalt  }
0x56: {  	_ =	shalt  }
0x57: {  	_ =	shalt  }
0x58: {  	_ =	shalt  }
0x59: {  	_ =	shalt  }
0x5a: {  	_ =	shalt  }
0x5b: {  	_ =	shalt  }
0x5c: {  	_ =	shalt  }
0x5d: {  	_ =	shalt  }
0x5e: {  	_ =	shalt  }
0x5f: {  	_ =	shalt  }
0x60: {  	_ =	shalt  }
0x61: {  	_ =	shalt  }
0x62: {  	_ =	shalt  }
0x63: {  	_ =	shalt  }
0x64: {  	_ =	shalt  }
0x65: {  	_ =	shalt  }
0x66: {  	_ =	shalt  }
0x67: {  	_ =	shalt  }
0x68: {  	_ =	shalt  }
0x69: {  	_ =	shalt  }
0x6a: {  	_ =	shalt  }
0x6b: {  	_ =	shalt  }
0x6c: {  	_ =	shalt  }
0x6d: {  	_ =	shalt  }
0x6e: {  	_ =	shalt  }
0x6f: {  	_ =	shalt  }
0x70: {  	_ =	shalt  }
0x71: {  	_ =	shalt  }
0x72: {  	_ =	shalt  }
0x73: {  	_ =	shalt  }
0x74: {  	_ =	shalt  }
0x75: {  	_ =	shalt  }
0x76: {  	_ =	shalt  }
0x77: {  	_ =	shalt  }
0x78: {  	_ =	shalt  }
0x79: {  	_ =	shalt  }
0x7a: {  	_ =	shalt  }
0x7b: {  	_ =	shalt  }
0x7c: {  	_ =	shalt  }
0x7d: {  	_ =	shalt  }
0x7e: {  	_ =	shalt  }
0x7f: {  	_ =	shalt  }
0x80: {  	_ =	shalt  }
0x81: {  	_ =	shalt  }
0x82: {  	_ =	shalt  }
0x83: {  	_ =	shalt  }
0x84: {  	_ =	shalt  }
0x85: {  	_ =	shalt  }
0x86: {  	_ =	shalt  }
0x87: {  	_ =	shalt  }
.Lfunc_end0:
.L_simem_size_0:
called_computation_lowered:
.L_overlay_start_0:
0x88: {  	s2 =	sld [smem:$0x3FD9]  }
0x89: {  	s3 =	sld [smem:$0x3FFE];
	_ =	sdelay $0x1  }
0x8a: {  	s1 =	srdreg.scid  }
0x8b: {  	s0 =	sand.u32 $0x1, s1  }
0x8c: {  	s17 =	sshll.u32 s0, $0xA;
	s2 =	sadd.s32 s3, s2  }
0x8d: {  	s2 =	sadd.s32 s2, s17  }
0x8e: {  	[smem:$0x3FC6] =	sst s2  }
0x8f: {  	_ = 	snop  }
0x90: {  	s2 =	sld [smem:$0x3FC9]  }
0x91: {  	s18 =	sld [smem:$0x3FD0];
	(tm) =	ssettm $0x1  }
0x92: {  	s4 =	sld [smem:$0x3FFB];
	_ =	sdelay $0x3  }
0x93: {  	_ =	strace s4  }
0x94: {  	s4 =	sld [smem:$0x3FFC];
	_ =	sdelay $0x3  }
0x95: {  	_ =	strace s4  }
0x96: {  	s4 =	sld [smem:$0x3FFD];
	_ =	sdelay $0x3  }
0x97: {  	_ =	strace s4  }
0x98: {  	_ =	strace $0x8FFFFFFF  }
0x99: {  	s19 =	sld [smem:$0x3FDB];
	_ =	sdelay $0x1  }
0x9a: {  	s5 =	simm.s32 $_scs_section_size  }
0x9b: {  	s6 =	simm.s32 $_size__tile_overlayer_lowered;
	s7 =	simm.s32 $_tile_overlayer_lowered  }
0x9c: {  	s22 =	simm.s32 $0x1BFF;
	s21 =	sshll.u32 s7, $0x1;
	s4 =	sadd.s32 s5, s19  }
0x9d: {  	s8 =	simm.s32 $0x0;
	s20 =	sshll.u32 s6, $0x1;
	s6 =	sadd.s32 s21, s4  }
0x9e: {  	[timem:s8], [sflag:s22] =	dma.local [hbm:s6], s20  }
0x9f: {  	_ =	swait.ge [sflag:s22], s20  }
0xa0: {  	s5 =	ssub.s32 $0x0, s20;
	[sflag:s22] =	ssyncset.done $0x0  }
0xa1: {  	[sflag:s22] =	ssyncadd.s32 s5;
	_ =	sdelay $0x1  }
0xa2: {  	s23 =	simm.s32 $0x1B8B  }
0xa3: {  	_ =	swait.ge [sflag:s23], $0x1  }
0xa4: {  	[sflag:s23] =	ssyncset.done $0x0  }
0xa5: {  	s25 =	simm.s32 $0x1B8E;
	s24 =	sld [smem:$0x3FFE];
	[sflag:s23] =	ssyncadd.s32 $0xFFFFFFFF  }
0xa6: {  	s26 =	simm.s32 $execute0_lowered;
	[smem:$0x3FD2] =	sst s25  }
0xa7: {  	s6 =	sshll.u32 s26, $0x1;
	_ =	strace $0x80000046;
	[dreg:$0x1] =	wrdreg $0xFFFFFFFF  }
0xa8: {  	s28 =	simm.s32 $_size_execute0_lowered;
	s4 =	sadd.s32 s4, s6;
	[dreg:$0x0] =	wrdreg $0x0  }
0xa9: {  	s6 =	sshll.u32 s28, $0x1;
	[dreg:$0x2] =	wrdreg s4  }
0xaa: {  	[dreg:$0x3] =	wrdreg s6  }
0xab: {  	[dreg:$0x4] =	wrdreg $0xC0  }
0xac: {  	_ =	task [dreg:s8], $0x5FFFF  }
0xad: {  	[dreg:$0x1] =	wrdreg $0xFFFFFFFF  }
0xae: {  	[dreg:$0x0] =	wrdreg $0x60  }
0xaf: {  	[dreg:$0x2] =	wrdreg s2  }
0xb0: {  	[dreg:$0x3] =	wrdreg s24  }
0xb1: {  	[dreg:$0x4] =	wrdreg s18  }
0xb2: {  	[dreg:$0x5] =	wrdreg $0x9  }
0xb3: {  	_ =	task.clear_ibuf [dreg:s8], $0x6FFFF;
	_ =	strace $0x90000046  }
0xb4: {  	s29 =	simm.s32 $0x9;
	_ =	strace $0x80000048  }
0xb5: {  	_ =	swait.ge [sflag:s29], $0x1  }
0xb6: {  	[sflag:s29] =	ssyncadd.s32 $0xFFFFFFFF  }
0xb7: {  	_ =	strace $0x90000048  }
0xb8: {  	_ =	sfence  }
0xb9: {  	s30 =	sld [smem:$0x0];
	_ =	sdelay $0x2  }
0xba: {  	s31 =	sshll.u32 s1, $0xD;
	s1 =	sshrl.u32 s1, $0x2  }
0xbb: {  	s3 =	sand.u32 $0x4000, s31;
	s1 =	sadd.s32 s1, s30  }
0xbc: {  	s0 =	sor.u32 s3, s0;
	s1 =	sshll.u32 s1, $0x11  }
0xbd: {  	s0 =	sor.u32 s1, s0  }
0xbe: {  	s0 =	sadd.s32 $0x8F2B, s0  }
0xbf: {  	[sflag:s0] =	ssyncadd.remote.s32 $0x1  }
0xc0: {  	_ =	sfence.sel $0xFFFF  }
0xc1: {  	[dreg:$0x0] =	wrdreg $0xFFFFFFFF;
	(pc) =	sbr.abs _section_cstart, $3  }
0xc2: {  	[dreg:$0x1] =	wrdreg $0xFFFFFFFF  }
0xc3: {  	_ =	task.clear_ibuf [dreg:s8], $0x2FFFF;
	_ =	strace $0x9FFFFFFF  }
0xc4: {  	(tm) =	ssettm $0x7FFFFFFF  }
0xc5: {  	_ =	shalt  }
tec
execute0_lowered:
.L_overlay_start_1:
0x0: {  	(tag) =	ssettag $0x1  }
0x1: {  	s1 =	rddreg [dreg:$0x0]  }
0x2: {  	s4 =	rddreg [dreg:$0x1]  }
0x3: {  	s2 =	srdreg.scid;
	s0 =	stileid.u32  }
0x4: {  	s6 =	rddreg [dreg:$0x2];
	s3 =	simm.s32 $0x0;
	s11 =	simm.s32 $0x9000  }
0x5: {  	s12 =	simm.s32 $0xB000;
	s13 =	simm.s32 $0xD000;
	s14 =	simm.s32 $0xF000  }
0x6: {  	s15 =	simm.s32 $0x11000;
	s16 =	simm.s32 $0x13000;
	s17 =	simm.s32 $0x15000  }
0x7: {  	s18 =	simm.s32 $0x17000;
	s19 =	simm.s32 $0x1;
	s20 =	simm.s32 $0x0  }
0x8: {  	s5 =	sand.u32 $0x1, s2;
	s7 =	sshll.u32 s0, $0x1;
	s2 =	rddreg [dreg:$0x3]  }
0x9: {  	[smem:$0x7FF] =	sst s3;
	s10 =	smul.u32 $0x50000, s0;
	s7 =	sor.u32 s5, s7  }
0xa: {  	s8 =	ssub.s32 $0x2, s5;
	_ =	strace $0x80000047;
	s31 =	smul.u32 $0x28000, s5  }
0xb: {  	s7 =	smul.u32 $0xA00, s7;
	s9 =	sshrl.u32 s8, $0x1;
	s6 =	sadd.s32 s10, s6  }
0xc: {  	s10 =	simm.s32 $0x7000;
	s30 =	ssub.s32 s8, s9;
	s6 =	sadd.s32 s31, s6  }
0xd: {  	s8 =	simm.s32 $0x40;
	s9 =	simm.s32 $0x5000;
	s4 =	sadd.s32 s7, s4  }
0xe: {  	s5 =	smax.u32 s30, $0x1;
	s7 =	simm.s32 $0x2;
	s4 =	sadd.s32 $0x400, s4  }
.LBB2_1:
0xf: {  	[tilespmem:s3], [sflag:$0x2] =	stream.linear.gather [hbm4b:s4+s3], $0x5000, $0x38;
	[tilespmem:$0x19000] =	vst v63  }
0x10: {  	_ =	swait.ge [sflag:s7], $0x5000  }
0x11: {  	[sflag:s7] =	ssyncset.done $0x0  }
0x12: {  	s21 =	simm.s32 $0x0;
	[sflag:s7] =	ssyncadd.s32 $0xFFFFB000  }
0x13: {  	[tilespmem:s9], [sflag:$0x1] =	stream.indirect.gather [hbm4b:s1+s8], $0x80, s21, s8, $0xb8;
	[tilespmem:$0x19000] =	vst v63  }
0x14: {  	s22 =	simm.s32 $0x80  }
0x15: {  	[tilespmem:s10], [sflag:$0x1] =	stream.indirect.gather [hbm4b:s1+s8], $0x80, s22, s8, $0xb8;
	[tilespmem:$0x19000] =	vst v63  }
0x16: {  	s23 =	simm.s32 $0x100  }
0x17: {  	[tilespmem:s11], [sflag:$0x1] =	stream.indirect.gather [hbm4b:s1+s8], $0x80, s23, s8, $0xb8;
	[tilespmem:$0x19000] =	vst v63  }
0x18: {  	s24 =	simm.s32 $0x180  }
0x19: {  	[tilespmem:s12], [sflag:$0x1] =	stream.indirect.gather [hbm4b:s1+s8], $0x80, s24, s8, $0xb8;
	[tilespmem:$0x19000] =	vst v63  }
0x1a: {  	s25 =	simm.s32 $0x200  }
0x1b: {  	[tilespmem:s13], [sflag:$0x1] =	stream.indirect.gather [hbm4b:s1+s8], $0x80, s25, s8, $0xb8;
	[tilespmem:$0x19000] =	vst v63  }
0x1c: {  	s26 =	simm.s32 $0x280  }
0x1d: {  	[tilespmem:s14], [sflag:$0x1] =	stream.indirect.gather [hbm4b:s1+s8], $0x80, s26, s8, $0xb8;
	[tilespmem:$0x19000] =	vst v63  }
0x1e: {  	s28 =	simm.s32 $0x300  }
0x1f: {  	[tilespmem:s15], [sflag:$0x1] =	stream.indirect.gather [hbm4b:s1+s8], $0x80, s28, s8, $0xb8;
	[tilespmem:$0x19000] =	vst v63  }
0x20: {  	s29 =	simm.s32 $0x380  }
0x21: {  	[tilespmem:s16], [sflag:$0x1] =	stream.indirect.gather [hbm4b:s1+s8], $0x80, s29, s8, $0xb8;
	[tilespmem:$0x19000] =	vst v63  }
0x22: {  	s30 =	simm.s32 $0x400  }
0x23: {  	[tilespmem:s17], [sflag:$0x1] =	stream.indirect.gather [hbm4b:s1+s8], $0x80, s30, s8, $0xb8;
	[tilespmem:$0x19000] =	vst v63  }
0x24: {  	s31 =	simm.s32 $0x480  }
0x25: {  	[tilespmem:s18], [sflag:$0x1] =	stream.indirect.gather [hbm4b:s1+s8], $0x80, s31, s8, $0xb8;
	[tilespmem:$0x19000] =	vst v63  }
0x26: {  	_ =	swait.ge [sflag:s19], $0x2000  }
0x27: {  	[sflag:s19] =	ssyncset.done $0x0  }
0x28: {  	[sflag:s19] =	ssyncadd.s32 $0xFFFFE000  }
0x29: {  	_ =	swait.ge [sflag:s19], $0x2000  }
0x2a: {  	[sflag:s19] =	ssyncset.done $0x0  }
0x2b: {  	[sflag:s19] =	ssyncadd.s32 $0xFFFFE000  }
0x2c: {  	_ =	swait.ge [sflag:s19], $0x2000  }
0x2d: {  	[sflag:s19] =	ssyncset.done $0x0  }
0x2e: {  	[sflag:s19] =	ssyncadd.s32 $0xFFFFE000  }
0x2f: {  	_ =	swait.ge [sflag:s19], $0x2000  }
0x30: {  	[sflag:s19] =	ssyncset.done $0x0  }
0x31: {  	[sflag:s19] =	ssyncadd.s32 $0xFFFFE000  }
0x32: {  	_ =	swait.ge [sflag:s19], $0x2000  }
0x33: {  	[sflag:s19] =	ssyncset.done $0x0  }
0x34: {  	[sflag:s19] =	ssyncadd.s32 $0xFFFFE000  }
0x35: {  	_ =	swait.ge [sflag:s19], $0x2000  }
0x36: {  	[sflag:s19] =	ssyncset.done $0x0  }
0x37: {  	[sflag:s19] =	ssyncadd.s32 $0xFFFFE000  }
0x38: {  	_ =	swait.ge [sflag:s19], $0x2000  }
0x39: {  	[sflag:s19] =	ssyncset.done $0x0  }
0x3a: {  	[sflag:s19] =	ssyncadd.s32 $0xFFFFE000  }
0x3b: {  	_ =	swait.ge [sflag:s19], $0x2000  }
0x3c: {  	[sflag:s19] =	ssyncset.done $0x0  }
0x3d: {  	[sflag:s19] =	ssyncadd.s32 $0xFFFFE000  }
0x3e: {  	_ =	swait.ge [sflag:s19], $0x2000  }
0x3f: {  	[sflag:s19] =	ssyncset.done $0x0  }
0x40: {  	[sflag:s19] =	ssyncadd.s32 $0xFFFFE000  }
0x41: {  	_ =	swait.ge [sflag:s19], $0x2000  }
0x42: {  	[sflag:s19] =	ssyncset.done $0x0  }
0x43: {  	[sflag:s19] =	ssyncadd.s32 $0xFFFFE000  }
0x44: {  	[hbm4b:s6+s3] =	stream.linear.scatter [tilespmem:s9], [sflag:$0x2], $0x14000, $0x38;
	[tilespmem:$0x19000] =	vst v63  }
0x45: {  	s21 =	sadd.s32 $0x2800, s6;
	_ =	swait.ge [sflag:s7], $0x14000  }
0x46: {  	s22 =	simm.s32 $0x1400;
	s24 =	simm.s32 $0x2800;
	[sflag:s7] =	ssyncset.done $0x0  }
.LBB2_2:
0x47: {  	s25 =	sshra.s32 s22, $0x2  }
0x48: {  	[sflag:s7] =	ssyncadd.s32 $0xFFFEC000;
	s22 =	smov.u32 s24;
	s23 =	sadd.s32 $0x1400, s24  }
0x49: {  	[tilespmem:s9], [sflag:$0x1] =	stream.indirect.gather [hbm4b:s1+s8], $0x80, s25, s8, $0xb8;
	[tilespmem:$0x19000] =	vst v63  }
0x4a: {  	p0 =	sne.s32 s24, $0x12C00;
	s24 =	sadd.s32 $0x80, s25  }
0x4b: {  	[tilespmem:s10], [sflag:$0x1] =	stream.indirect.gather [hbm4b:s1+s8], $0x80, s24, s8, $0xb8;
	[tilespmem:$0x19000] =	vst v63  }
0x4c: {  	s24 =	sadd.s32 $0x100, s25  }
0x4d: {  	[tilespmem:s11], [sflag:$0x1] =	stream.indirect.gather [hbm4b:s1+s8], $0x80, s24, s8, $0xb8;
	[tilespmem:$0x19000] =	vst v63  }
0x4e: {  	s24 =	sadd.s32 $0x180, s25  }
0x4f: {  	[tilespmem:s12], [sflag:$0x1] =	stream.indirect.gather [hbm4b:s1+s8], $0x80, s24, s8, $0xb8;
	[tilespmem:$0x19000] =	vst v63  }
0x50: {  	s24 =	sadd.s32 $0x200, s25  }
0x51: {  	[tilespmem:s13], [sflag:$0x1] =	stream.indirect.gather [hbm4b:s1+s8], $0x80, s24, s8, $0xb8;
	[tilespmem:$0x19000] =	vst v63  }
0x52: {  	s24 =	sadd.s32 $0x280, s25  }
0x53: {  	[tilespmem:s14], [sflag:$0x1] =	stream.indirect.gather [hbm4b:s1+s8], $0x80, s24, s8, $0xb8;
	[tilespmem:$0x19000] =	vst v63  }
0x54: {  	s24 =	sadd.s32 $0x300, s25  }
0x55: {  	[tilespmem:s15], [sflag:$0x1] =	stream.indirect.gather [hbm4b:s1+s8], $0x80, s24, s8, $0xb8;
	[tilespmem:$0x19000] =	vst v63  }
0x56: {  	s24 =	sadd.s32 $0x380, s25  }
0x57: {  	[tilespmem:s16], [sflag:$0x1] =	stream.indirect.gather [hbm4b:s1+s8], $0x80, s24, s8, $0xb8;
	[tilespmem:$0x19000] =	vst v63  }
0x58: {  	s24 =	sadd.s32 $0x400, s25  }
0x59: {  	[tilespmem:s17], [sflag:$0x1] =	stream.indirect.gather [hbm4b:s1+s8], $0x80, s24, s8, $0xb8;
	[tilespmem:$0x19000] =	vst v63  }
0x5a: {  	s24 =	sadd.s32 $0x480, s25  }
0x5b: {  	[tilespmem:s18], [sflag:$0x1] =	stream.indirect.gather [hbm4b:s1+s8], $0x80, s24, s8, $0xb8;
	[tilespmem:$0x19000] =	vst v63  }
0x5c: {  	_ =	swait.ge [sflag:s19], $0x2000  }
0x5d: {  	[sflag:s19] =	ssyncset.done $0x0  }
0x5e: {  	[sflag:s19] =	ssyncadd.s32 $0xFFFFE000  }
0x5f: {  	_ =	swait.ge [sflag:s19], $0x2000  }
0x60: {  	[sflag:s19] =	ssyncset.done $0x0  }
0x61: {  	[sflag:s19] =	ssyncadd.s32 $0xFFFFE000  }
0x62: {  	_ =	swait.ge [sflag:s19], $0x2000  }
0x63: {  	[sflag:s19] =	ssyncset.done $0x0  }
0x64: {  	[sflag:s19] =	ssyncadd.s32 $0xFFFFE000  }
0x65: {  	_ =	swait.ge [sflag:s19], $0x2000  }
0x66: {  	[sflag:s19] =	ssyncset.done $0x0  }
0x67: {  	[sflag:s19] =	ssyncadd.s32 $0xFFFFE000  }
0x68: {  	_ =	swait.ge [sflag:s19], $0x2000  }
0x69: {  	[sflag:s19] =	ssyncset.done $0x0  }
0x6a: {  	[sflag:s19] =	ssyncadd.s32 $0xFFFFE000  }
0x6b: {  	_ =	swait.ge [sflag:s19], $0x2000  }
0x6c: {  	[sflag:s19] =	ssyncset.done $0x0  }
0x6d: {  	[sflag:s19] =	ssyncadd.s32 $0xFFFFE000  }
0x6e: {  	_ =	swait.ge [sflag:s19], $0x2000  }
0x6f: {  	[sflag:s19] =	ssyncset.done $0x0  }
0x70: {  	[sflag:s19] =	ssyncadd.s32 $0xFFFFE000  }
0x71: {  	_ =	swait.ge [sflag:s19], $0x2000  }
0x72: {  	[sflag:s19] =	ssyncset.done $0x0  }
0x73: {  	[sflag:s19] =	ssyncadd.s32 $0xFFFFE000  }
0x74: {  	_ =	swait.ge [sflag:s19], $0x2000  }
0x75: {  	[sflag:s19] =	ssyncset.done $0x0  }
0x76: {  	[sflag:s19] =	ssyncadd.s32 $0xFFFFE000  }
0x77: {  	_ =	swait.ge [sflag:s19], $0x2000  }
.Ltmp0:
0x78: {  	[sflag:s19] =	ssyncset.done $0x0;
	(pc) =	sbr.rel @p0 .LBB2_2-.Ltmp0, $4  }
0x79: {  	[sflag:s19] =	ssyncadd.s32 $0xFFFFE000  }
0x7a: {  	[hbm4b:s21+s3] =	stream.linear.scatter [tilespmem:s9], [sflag:$0x2], $0x14000, $0x38;
	[tilespmem:$0x19000] =	vst v63  }
0x7b: {  	_ =	swait.ge [sflag:s7], $0x14000  }
0x7c: {  	s24 =	smov.u32 s23;
	s21 =	sadd.s32 $0x2800, s21;
	[sflag:s7] =	ssyncset.done $0x0  }
0x7d: {  	s22 =	sshra.s32 s22, $0x2;
	[sflag:s7] =	ssyncadd.s32 $0xFFFEC000  }
0x7e: {  	[tilespmem:s9], [sflag:$0x1] =	stream.indirect.gather [hbm4b:s1+s8], $0x80, s22, s8, $0xb8;
	[tilespmem:$0x19000] =	vst v63  }
0x7f: {  	s23 =	sadd.s32 $0x80, s22  }
0x80: {  	[tilespmem:s10], [sflag:$0x1] =	stream.indirect.gather [hbm4b:s1+s8], $0x80, s23, s8, $0xb8;
	[tilespmem:$0x19000] =	vst v63  }
0x81: {  	s24 =	sadd.s32 $0x100, s22  }
0x82: {  	[tilespmem:s11], [sflag:$0x1] =	stream.indirect.gather [hbm4b:s1+s8], $0x80, s24, s8, $0xb8;
	[tilespmem:$0x19000] =	vst v63  }
0x83: {  	s25 =	sadd.s32 $0x180, s22  }
0x84: {  	[tilespmem:s12], [sflag:$0x1] =	stream.indirect.gather [hbm4b:s1+s8], $0x80, s25, s8, $0xb8;
	[tilespmem:$0x19000] =	vst v63  }
0x85: {  	s26 =	sadd.s32 $0x200, s22  }
0x86: {  	[tilespmem:s13], [sflag:$0x1] =	stream.indirect.gather [hbm4b:s1+s8], $0x80, s26, s8, $0xb8;
	[tilespmem:$0x19000] =	vst v63  }
0x87: {  	s28 =	sadd.s32 $0x280, s22  }
0x88: {  	[tilespmem:s14], [sflag:$0x1] =	stream.indirect.gather [hbm4b:s1+s8], $0x80, s28, s8, $0xb8;
	[tilespmem:$0x19000] =	vst v63  }
0x89: {  	s29 =	sadd.s32 $0x300, s22  }
0x8a: {  	[tilespmem:s15], [sflag:$0x1] =	stream.indirect.gather [hbm4b:s1+s8], $0x80, s29, s8, $0xb8;
	[tilespmem:$0x19000] =	vst v63  }
0x8b: {  	s30 =	sadd.s32 $0x380, s22  }
0x8c: {  	[tilespmem:s16], [sflag:$0x1] =	stream.indirect.gather [hbm4b:s1+s8], $0x80, s30, s8, $0xb8;
	[tilespmem:$0x19000] =	vst v63  }
0x8d: {  	s31 =	sadd.s32 $0x400, s22  }
0x8e: {  	[tilespmem:s17], [sflag:$0x1] =	stream.indirect.gather [hbm4b:s1+s8], $0x80, s31, s8, $0xb8;
	[tilespmem:$0x19000] =	vst v63  }
0x8f: {  	s22 =	sadd.s32 $0x480, s22  }
0x90: {  	[tilespmem:s18], [sflag:$0x1] =	stream.indirect.gather [hbm4b:s1+s8], $0x80, s22, s8, $0xb8;
	[tilespmem:$0x19000] =	vst v63  }
0x91: {  	_ =	swait.ge [sflag:s19], $0x2000  }
0x92: {  	[sflag:s19] =	ssyncset.done $0x0  }
0x93: {  	[sflag:s19] =	ssyncadd.s32 $0xFFFFE000  }
0x94: {  	_ =	swait.ge [sflag:s19], $0x2000  }
0x95: {  	[sflag:s19] =	ssyncset.done $0x0  }
0x96: {  	[sflag:s19] =	ssyncadd.s32 $0xFFFFE000  }
0x97: {  	_ =	swait.ge [sflag:s19], $0x2000  }
0x98: {  	[sflag:s19] =	ssyncset.done $0x0  }
0x99: {  	[sflag:s19] =	ssyncadd.s32 $0xFFFFE000  }
0x9a: {  	_ =	swait.ge [sflag:s19], $0x2000  }
0x9b: {  	[sflag:s19] =	ssyncset.done $0x0  }
0x9c: {  	[sflag:s19] =	ssyncadd.s32 $0xFFFFE000  }
0x9d: {  	_ =	swait.ge [sflag:s19], $0x2000  }
0x9e: {  	[sflag:s19] =	ssyncset.done $0x0  }
0x9f: {  	[sflag:s19] =	ssyncadd.s32 $0xFFFFE000  }
0xa0: {  	_ =	swait.ge [sflag:s19], $0x2000  }
0xa1: {  	[sflag:s19] =	ssyncset.done $0x0  }
0xa2: {  	[sflag:s19] =	ssyncadd.s32 $0xFFFFE000  }
0xa3: {  	_ =	swait.ge [sflag:s19], $0x2000  }
0xa4: {  	[sflag:s19] =	ssyncset.done $0x0  }
0xa5: {  	[sflag:s19] =	ssyncadd.s32 $0xFFFFE000  }
0xa6: {  	_ =	swait.ge [sflag:s19], $0x2000  }
0xa7: {  	[sflag:s19] =	ssyncset.done $0x0  }
0xa8: {  	[sflag:s19] =	ssyncadd.s32 $0xFFFFE000  }
0xa9: {  	_ =	swait.ge [sflag:s19], $0x2000  }
0xaa: {  	[sflag:s19] =	ssyncset.done $0x0  }
0xab: {  	[sflag:s19] =	ssyncadd.s32 $0xFFFFE000  }
0xac: {  	s20 =	sadd.s32 $0x1, s20;
	_ =	swait.ge [sflag:s19], $0x2000  }
0xad: {  	p0 =	sne.s32 s20, s5;
	[sflag:s19] =	ssyncset.done $0x0  }
.Ltmp1:
0xae: {  	[sflag:s19] =	ssyncadd.s32 $0xFFFFE000;
	(pc) =	sbr.rel @p0 .LBB2_1-.Ltmp1, $4  }
0xaf: {  	[hbm4b:s21+s3] =	stream.linear.scatter [tilespmem:s9], [sflag:$0x2], $0x14000, $0x38;
	[tilespmem:$0x19000] =	vst v63  }
0xb0: {  	_ =	swait.ge [sflag:s7], $0x14000  }
0xb1: {  	[sflag:s7] =	ssyncset.done $0x0  }
0xb2: {  	[sflag:s7] =	ssyncadd.s32 $0xFFFEC000  }
0xb3: {  	_ =	sfence.sel $0x180000  }
0xb4: {  	[bflag:$0x0] =	sbarrier.arrive $0xFFFF  }
0xb5: {  	p0 =	sne.s32 s0, $0x0;
	_ =	strace $0x90000047  }
0xb6: {  	s0 =	sadd.s32 @!p0 $0x100000, s2;
	[bflag:$0x2] =	sbarrier.arrive $0xFFFF  }
0xb7: {  	[sflag:s0] =	ssyncadd.tile.s32 @!p0 $0x1;
	_ =	shalt  }
.Lfunc_end2:
_tile_overlayer_lowered:
.L_overlay_start_2:
0xb8: {  	(tag) =	ssettag $0x2  }
0xb9: {  	s0 =	rddreg [dreg:$0x0];
	s2 =	stileid.u32  }
0xba: {  	s1 =	rddreg [dreg:$0x1];
	p0 =	sne.s32 s2, $0x0  }
0xbb: {  	s3 =	rddreg [dreg:$0x2];
	[bflag:$0x3] =	sbarrier.arrive $0xFFFF;
	s2 =	simm.s32 @!p0 $0x1C02  }
0xbc: {  	[timem:s3], [sflag:s2] =	dma.local @!p0 [hbm:s0], s1  }
0xbd: {  	s0 =	simm.s32 @!p0 $0x2  }
0xbe: {  	_ =	swait.ge @!p0 [sflag:s0], s1  }
0xbf: {  	s1 =	ssub.s32 @!p0 $0x0, s1;
	[sflag:s0] =	ssyncset.done @!p0 $0x0  }
0xc0: {  	[sflag:s0] =	ssyncadd.s32 @!p0 s1  }
0xc1: {  	[bflag:$0x3] =	sbarrier.arrive $0xFFFF  }
0xc2: {  	_ =	shalt  }

</sc_bundles>
